<compile_context>
chip_gen: v7x
topology: tpu7x:2x2x1
jax: 0.10.2.dev20260603
libtpu: 0.0.44.dev20260713+nightly
codegen_flags: <defaults>
</compile_context>

<pallas_src>
import functools

import jax
import jax.numpy as jnp
from jax import lax
from jax.experimental import pallas as pl
from jax.experimental.pallas import tpu as pltpu
from jax.experimental.pallas import tpu_sc as plsc

N2 = 1000
P = 1024
D = 128
E2 = 80000
NSUB = 16
CH = 128
NCH = 39
EPT = 40 * CH
TAG = 512.0
HALF = 4 * P * D
TRASH = 2048
ACCN = HALF + TRASH
ZB = ACCN // NSUB // 4
ZSTR = ACCN // NSUB
WSTR = HALF // NSUB

_sc_mesh = plsc.VectorSubcoreMesh(core_axis_name="c", subcore_axis_name="s")


@functools.partial(
    pl.kernel,
    out_type=jax.ShapeDtypeStruct((P * P,), jnp.float32),
    mesh=_sc_mesh,
    scratch_types=[
        pltpu.VMEM((EPT,), jnp.int32),
        pltpu.VMEM((EPT,), jnp.int32),
        pltpu.VMEM((40, CH), jnp.int32),
        pltpu.VMEM((EPT,), jnp.int32),
        pltpu.VMEM((40, CH), jnp.float32),
        pltpu.VMEM((ZB,), jnp.float32),
        pltpu.VMEM_SHARED((ACCN,), jnp.float32),
        pltpu.SemaphoreType.DMA,
        pltpu.SemaphoreType.DMA,
        pltpu.SemaphoreType.DMA,
    ],
)
def _sc_build(ei2_hbm, eid_hbm, attr_hbm, c_hbm,
              col_v, row_v, idx_v, eid_v, val_v, zb, acc, sem_g, sem_s,
              sem_l):
    cid = lax.axis_index("c")
    sid = lax.axis_index("s")
    last = sid == NSUB - 1
    nch = NCH + last.astype(jnp.int32)
    ebase = sid * NCH * CH

    pltpu.async_copy(ei2_hbm.at[1, pl.ds(ebase, NCH * CH)],
                     col_v.at[pl.ds(0, NCH * CH)], sem_l)
    pltpu.async_copy(ei2_hbm.at[0, pl.ds(ebase, NCH * CH)],
                     row_v.at[pl.ds(0, NCH * CH)], sem_l)
    pltpu.async_copy(eid_hbm.at[pl.ds(ebase, NCH * CH)],
                     eid_v.at[pl.ds(0, NCH * CH)], sem_l)

    tail = NCH * CH

    @pl.when(last)
    def _():
        pltpu.async_copy(ei2_hbm.at[1, pl.ds(ebase + tail, CH)],
                         col_v.at[pl.ds(tail, CH)], sem_l)
        pltpu.async_copy(ei2_hbm.at[0, pl.ds(ebase + tail, CH)],
                         row_v.at[pl.ds(tail, CH)], sem_l)
        pltpu.async_copy(eid_hbm.at[pl.ds(ebase + tail, CH)],
                         eid_v.at[pl.ds(tail, CH)], sem_l)

    zeros16 = jnp.zeros((16,), jnp.float32)

    @pl.loop(0, ZB // 16)
    def _(i):
        zb[pl.ds(i * 16, 16)] = zeros16

    @pl.loop(0, 4)
    def _(k):
        pltpu.async_copy(zb, acc.at[pl.ds(sid * ZSTR + k * ZB, ZB)], sem_s)

    pltpu.make_async_copy(ei2_hbm.at[1, pl.ds(ebase, NCH * CH)],
                          col_v.at[pl.ds(0, NCH * CH)], sem_l).wait()
    pltpu.make_async_copy(ei2_hbm.at[0, pl.ds(ebase, NCH * CH)],
                          row_v.at[pl.ds(0, NCH * CH)], sem_l).wait()
    pltpu.make_async_copy(eid_hbm.at[pl.ds(ebase, NCH * CH)],
                          eid_v.at[pl.ds(0, NCH * CH)], sem_l).wait()

    @pl.when(last)
    def _():
        for _ in range(3):
            pltpu.make_async_copy(eid_hbm.at[pl.ds(ebase + tail, CH)],
                                  eid_v.at[pl.ds(tail, CH)], sem_l).wait()

    @pl.loop(0, nch)
    def _(j):
        pltpu.async_copy(attr_hbm.at[eid_v.at[pl.ds(j * CH, CH)]],
                         val_v.at[j], sem_g)

    @pl.loop(0, 40)
    def _(j):
        for t in range(CH // 16):
            off = j * CH + t * 16
            c16 = col_v[pl.ds(off, 16)]
            r16 = row_v[pl.ds(off, 16)]
            flat = (lax.shift_left(lax.shift_right_logical(r16, 7), 17)
                    + lax.shift_left(c16, 7) + lax.bitwise_and(r16, 127))
            mine = lax.shift_right_logical(flat, 19) == cid
            idx_v[j, pl.ds(t * 16, 16)] = jnp.where(
                mine, lax.bitwise_and(flat, HALF - 1),
                HALF + lax.bitwise_and(flat, 127))

    @pl.loop(0, nch)
    def _(j):
        pltpu.make_async_copy(
            attr_hbm.at[eid_v.at[pl.ds(j * CH, CH)]],
            val_v.at[j], sem_g).wait()

    @pl.loop(0, 40)
    def _(j):
        for t in range(CH // 16):
            sl = pl.ds(t * 16, 16)
            val_v[j, sl] = val_v[j, sl] + TAG

    @pl.loop(0, 4)
    def _(k):
        pltpu.make_async_copy(
            zb, acc.at[pl.ds(sid * ZSTR + k * ZB, ZB)], sem_s).wait()

    plsc.subcore_barrier()

    @pl.loop(0, nch)
    def _(j):
        pltpu.async_copy(val_v.at[j], acc.at[idx_v.at[j]], sem_s, add=True)

    @pl.loop(0, nch)
    def _(j):
        pltpu.make_async_copy(val_v.at[j], acc.at[idx_v.at[j]], sem_s).wait()

    plsc.subcore_barrier()

    pltpu.sync_copy(acc.at[pl.ds(sid * WSTR, WSTR)],
                    c_hbm.at[pl.ds(cid * HALF + sid * WSTR, WSTR)])


def _tc_body(x_ref, c_ref, wg_ref, bg_ref, wl_ref, bl_ref, wr_ref,
             o_ref):
    f32 = jnp.float32
    hi = jax.lax.Precision.DEFAULT
    h = jnp.dot(x_ref[...], wg_ref[...], preferred_element_type=f32,
                precision=hi)
    c = c_ref[...]
    bc = jnp.floor(c * (1.0 / TAG) + 0.5)
    ws = c - TAG * bc
    deg = 1.0
    for k in range(8):
        deg = deg + jnp.sum(ws[k * P:(k + 1) * P, :], axis=1, keepdims=True)
    dis = jax.lax.rsqrt(deg)
    t = dis * h
    u = t
    for k in range(8):
        u = u + jnp.dot(ws[k * P:(k + 1) * P, :], t[k * D:(k + 1) * D, :],
                        preferred_element_type=f32, precision=hi)
    h2 = dis * u + bg_ref[...]
    cnt = jnp.zeros((P, 1), f32)
    s = jnp.zeros((P, D), f32)
    for k in range(8):
        bck = bc[k * P:(k + 1) * P, :]
        cnt = cnt + jnp.sum(bck, axis=1, keepdims=True)
        s = s + jnp.dot(bck, h2[k * D:(k + 1) * D, :],
                        preferred_element_type=f32, precision=hi)
    mean = s / jnp.maximum(cnt, 1.0)
    o = (jnp.dot(mean, wl_ref[...], preferred_element_type=f32, precision=hi)
         + bl_ref[...]
         + jnp.dot(h2, wr_ref[...], preferred_element_type=f32, precision=hi))
    nrm = jnp.sqrt(jnp.sum(o * o, axis=1, keepdims=True))
    o_ref[...] = (o / jnp.maximum(nrm, 1e-12))[:N2, :]


_tc_dense = pl.pallas_call(
    _tc_body,
    out_shape=jax.ShapeDtypeStruct((N2, D), jnp.float32),
)


def kernel(x, edge_index1, e_id1, edge_index2, e_id2, attr, W_gcn, b_gcn,
           Wl1, bl1, Wr1, Wl2, bl2, Wr2):
    del edge_index1, e_id1, Wl1, bl1, Wr1
    c = _sc_build(edge_index2, e_id2, attr).reshape(8 * P, D)

    return _tc_dense(x[:P], c, W_gcn, b_gcn.reshape(1, D),
                     Wl2, bl2.reshape(1, D), Wr2)

# --- scband reference (transcript-rebuilt; emitter-appended) ---
"""Pipeline reference for scband-global-gnn-55765855371427 (READ-ONLY COPY).

The authoritative reference and input builder live on the scoring server;
editing this copy changes nothing except your own understanding.
"""

import jax, jax.numpy as jnp
import numpy as np

N0, N1, N2 = 10000, 5000, 1000
E1, E2 = 320000, 80000
ETOT = E1 + E2
D = 128


def setup_inputs(seed: int = 0):
    key = jax.random.key(seed)
    ks = jax.random.split(key, 16)
    p = lambda k, shape: jax.random.normal(k, shape, dtype=jnp.float32) * 0.05
    return {
        'x': jax.random.normal(ks[0], (N0, D), dtype=jnp.float32),
        'edge_index1': jax.random.randint(ks[1], (2, E1), 0, N1),
        'e_id1': jax.random.randint(ks[2], (E1,), 0, ETOT),
        'edge_index2': jax.random.randint(ks[3], (2, E2), 0, N2),
        'e_id2': jax.random.randint(ks[4], (E2,), 0, ETOT),
        'attr': jax.random.uniform(ks[5], (ETOT,), dtype=jnp.float32),
        'W_gcn': p(ks[6], (D, D)),
        'b_gcn': p(ks[7], (D,)),
        'Wl1': p(ks[8], (D, D)),
        'bl1': p(ks[9], (D,)),
        'Wr1': p(ks[10], (D, D)),
        'Wl2': p(ks[11], (D, D)),
        'bl2': p(ks[12], (D,)),
        'Wr2': p(ks[13], (D, D)),
    }


def _gcn_conv(x, edge_index, ew, W, b):
    # PyG GCNConv with edge_weight: lin -> add self loops -> sym-norm -> scatter-add -> +bias
    N = x.shape[0]
    h = x @ W
    loop = jnp.arange(N, dtype=edge_index.dtype)
    row = jnp.concatenate([edge_index[0], loop])
    col = jnp.concatenate([edge_index[1], loop])
    w = jnp.concatenate([ew, jnp.ones((N,), ew.dtype)])
    deg = jnp.zeros((N,), h.dtype).at[col].add(w)
    dis = jnp.where(deg > 0, jax.lax.rsqrt(jnp.maximum(deg, 1e-12)), 0.0)
    norm = dis[row] * w * dis[col]
    out = jnp.zeros_like(h).at[col].add(norm[:, None] * h[row])
    return out + b


def _sage_conv(x_src, x_dst, edge_index, Wl, bl, Wr):
    # PyG SAGEConv(mean aggr, root_weight=True, normalize=True) on bipartite (x_src, x_dst)
    row, col = edge_index[0], edge_index[1]
    Nd = x_dst.shape[0]
    s = jnp.zeros((Nd, x_src.shape[1]), x_src.dtype).at[col].add(x_src[row])
    c = jnp.zeros((Nd,), x_src.dtype).at[col].add(jnp.ones((row.shape[0],), x_src.dtype))
    mean = s / jnp.maximum(c, 1.0)[:, None]
    out = mean @ Wl + bl + x_dst @ Wr
    nrm = jnp.sqrt(jnp.sum(out * out, axis=-1, keepdims=True))
    return out / jnp.maximum(nrm, 1e-12)


def reference(x, edge_index1, e_id1, edge_index2, e_id2, attr, W_gcn, b_gcn, Wl1, bl1, Wr1, Wl2, bl2, Wr2):
    # layer 1 (note: torch code resets x = x_all each iteration, so layer-1 output is discarded)
    w1 = attr[e_id1].reshape(-1)
    h1 = _gcn_conv(x, edge_index1, w1, W_gcn, b_gcn)
    z1 = _sage_conv(h1, h1[:N1], edge_index1, Wl1, bl1, Wr1)
    z1 = jax.nn.relu(z1)  # dropout is identity in eval mode
    # layer 2 (operates on original x_all, matching the torch code)
    w2 = attr[e_id2].reshape(-1)
    h2 = _gcn_conv(x, edge_index2, w2, W_gcn, b_gcn)
    out = _sage_conv(h2, h2[:N2], edge_index2, Wl2, bl2, Wr2)
    return out

if __name__ == "__main__":
    import jax
    _d = setup_inputs()
    print(jax.jit(kernel)(*tuple(_d.values())))

</pallas_src>

<mosaic_0001>
#map = affine_map<(d0, d1) -> (0, 0)>
#map1 = affine_map<(d0, d1) -> (0)>
module attributes {stable_mosaic.version = 14 : i64} {
  func.func @_sc_build(%arg0: i32, %arg1: i32, %arg2: memref<2x80000xi32, #tpu.memory_space<hbm>>, %arg3: memref<80000xi32, #tpu.memory_space<hbm>>, %arg4: memref<400000xf32, #tpu.memory_space<hbm>>, %arg5: memref<1048576xf32, #tpu.memory_space<hbm>>, %arg6: memref<5120xi32, #tpu.memory_space<vmem>>, %arg7: memref<5120xi32, #tpu.memory_space<vmem>>, %arg8: memref<40x128xi32, #tpu.memory_space<vmem>>, %arg9: memref<5120xi32, #tpu.memory_space<vmem>>, %arg10: memref<40x128xf32, #tpu.memory_space<vmem>>, %arg11: memref<8224xf32, #tpu.memory_space<vmem>>, %arg12: memref<526336xf32, #tpu.memory_space<vmem_shared>>, %arg13: memref<!tpu.dma_semaphore, #tpu.memory_space<semaphore_mem>>, %arg14: memref<!tpu.dma_semaphore, #tpu.memory_space<semaphore_mem>>, %arg15: memref<!tpu.dma_semaphore, #tpu.memory_space<semaphore_mem>>) attributes {dimension_semantics = [#tpu.dimension_semantics<core_parallel>, #tpu.dimension_semantics<subcore_parallel>], iteration_bounds = array<i64: 2, 16>, scalar_prefetch = 0 : i64, scratch_operands = 10 : i64, tpu.core_type = #tpu.core_type<sc_vector_subcore>, window_params = [{transform_indices = #map}, {transform_indices = #map1}, {transform_indices = #map1}, {transform_indices = #map1}]} {
    %eq3A = arith.constant 15 : i32
    %eq3A_0 = arith.cmpi eq, %arg1, %eq3A : i32
    %convert_element_type3A = arith.extui %eq3A_0 : i1 to i32
    %add3A = arith.constant 39 : i32
    %add3A_1 = arith.addi %add3A, %convert_element_type3A : i32
    %mul3A = arith.constant 39 : i32
    %mul3A_2 = arith.muli %arg1, %mul3A : i32
    %mul3A_3 = arith.constant 128 : i32
    %mul3A_4 = arith.muli %mul3A_2, %mul3A_3 : i32
    %dma_start3A = arith.constant 1 : i32
    %dma_start3A_5 = arith.constant 0 : i32
    %dma_start3A_6 = tpu.memref_slice %arg6[%dma_start3A_5] : memref<5120xi32, #tpu.memory_space<vmem>> -> memref<4992xi32, #tpu.memory_space<vmem>>
    %dma_start3A_7 = tpu.memref_slice %arg2[%dma_start3A, %mul3A_4] : memref<2x80000xi32, #tpu.memory_space<hbm>> -> memref<1x4992xi32, #tpu.memory_space<hbm>>
    %dma_start3A_8 = tpu.memref_squeeze %dma_start3A_7 : memref<1x4992xi32, #tpu.memory_space<hbm>> -> memref<4992xi32, #tpu.memory_space<hbm>>
    %dma_start3A_9 = arith.constant 0 : i32
    %dma_start3A_10 = tpu.memref_slice %arg6[%dma_start3A_9] : memref<5120xi32, #tpu.memory_space<vmem>> -> memref<4992xi32, #tpu.memory_space<vmem>>
    %dma_start3A_11 = tpu.memref_slice %arg2[%dma_start3A, %mul3A_4] : memref<2x80000xi32, #tpu.memory_space<hbm>> -> memref<1x4992xi32, #tpu.memory_space<hbm>>
    %dma_start3A_12 = tpu.memref_squeeze %dma_start3A_11 : memref<1x4992xi32, #tpu.memory_space<hbm>> -> memref<4992xi32, #tpu.memory_space<hbm>>
    tpu.enqueue_dma source(%dma_start3A_12 : memref<4992xi32, #tpu.memory_space<hbm>>) target(%dma_start3A_10 : memref<4992xi32, #tpu.memory_space<vmem>>) target_semaphore(%arg15 : memref<!tpu.dma_semaphore, #tpu.memory_space<semaphore_mem>>)
    %dma_start3A_13 = arith.constant 0 : i32
    %dma_start3A_14 = arith.constant 0 : i32
    %dma_start3A_15 = tpu.memref_slice %arg7[%dma_start3A_14] : memref<5120xi32, #tpu.memory_space<vmem>> -> memref<4992xi32, #tpu.memory_space<vmem>>
    %dma_start3A_16 = tpu.memref_slice %arg2[%dma_start3A_13, %mul3A_4] : memref<2x80000xi32, #tpu.memory_space<hbm>> -> memref<1x4992xi32, #tpu.memory_space<hbm>>
    %dma_start3A_17 = tpu.memref_squeeze %dma_start3A_16 : memref<1x4992xi32, #tpu.memory_space<hbm>> -> memref<4992xi32, #tpu.memory_space<hbm>>
    %dma_start3A_18 = arith.constant 0 : i32
    %dma_start3A_19 = tpu.memref_slice %arg7[%dma_start3A_18] : memref<5120xi32, #tpu.memory_space<vmem>> -> memref<4992xi32, #tpu.memory_space<vmem>>
    %dma_start3A_20 = tpu.memref_slice %arg2[%dma_start3A_13, %mul3A_4] : memref<2x80000xi32, #tpu.memory_space<hbm>> -> memref<1x4992xi32, #tpu.memory_space<hbm>>
    %dma_start3A_21 = tpu.memref_squeeze %dma_start3A_20 : memref<1x4992xi32, #tpu.memory_space<hbm>> -> memref<4992xi32, #tpu.memory_space<hbm>>
    tpu.enqueue_dma source(%dma_start3A_21 : memref<4992xi32, #tpu.memory_space<hbm>>) target(%dma_start3A_19 : memref<4992xi32, #tpu.memory_space<vmem>>) target_semaphore(%arg15 : memref<!tpu.dma_semaphore, #tpu.memory_space<semaphore_mem>>)
    %dma_start3A_22 = arith.constant 0 : i32
    %dma_start3A_23 = tpu.memref_slice %arg9[%dma_start3A_22] : memref<5120xi32, #tpu.memory_space<vmem>> -> memref<4992xi32, #tpu.memory_space<vmem>>
    %dma_start3A_24 = tpu.memref_slice %arg3[%mul3A_4] : memref<80000xi32, #tpu.memory_space<hbm>> -> memref<4992xi32, #tpu.memory_space<hbm>>
    %dma_start3A_25 = arith.constant 0 : i32
    %dma_start3A_26 = tpu.memref_slice %arg9[%dma_start3A_25] : memref<5120xi32, #tpu.memory_space<vmem>> -> memref<4992xi32, #tpu.memory_space<vmem>>
    %dma_start3A_27 = tpu.memref_slice %arg3[%mul3A_4] : memref<80000xi32, #tpu.memory_space<hbm>> -> memref<4992xi32, #tpu.memory_space<hbm>>
    tpu.enqueue_dma source(%dma_start3A_27 : memref<4992xi32, #tpu.memory_space<hbm>>) target(%dma_start3A_26 : memref<4992xi32, #tpu.memory_space<vmem>>) target_semaphore(%arg15 : memref<!tpu.dma_semaphore, #tpu.memory_space<semaphore_mem>>)
    %convert_element_type3A_28 = arith.extui %eq3A_0 : i1 to i32
    %cond3A = arith.constant 0 : i32
    %cond3A_29 = arith.cmpi ne, %convert_element_type3A_28, %cond3A : i32
    scf.if %cond3A_29 {
      %add3A_162 = arith.constant 4992 : i32
      %add3A_163 = arith.addi %mul3A_4, %add3A_162 : i32
      %dma_start3A_164 = arith.constant 1 : i32
      %dma_start3A_165 = arith.constant 4992 : i32
      %dma_start3A_166 = tpu.memref_slice %arg6[%dma_start3A_165] : memref<5120xi32, #tpu.memory_space<vmem>> -> memref<128xi32, #tpu.memory_space<vmem>>
      %dma_start3A_167 = tpu.memref_slice %arg2[%dma_start3A_164, %add3A_163] : memref<2x80000xi32, #tpu.memory_space<hbm>> -> memref<1x128xi32, #tpu.memory_space<hbm>>
      %dma_start3A_168 = tpu.memref_squeeze %dma_start3A_167 : memref<1x128xi32, #tpu.memory_space<hbm>> -> memref<128xi32, #tpu.memory_space<hbm>>
      %dma_start3A_169 = arith.constant 4992 : i32
      %dma_start3A_170 = tpu.memref_slice %arg6[%dma_start3A_169] : memref<5120xi32, #tpu.memory_space<vmem>> -> memref<128xi32, #tpu.memory_space<vmem>>
      %dma_start3A_171 = tpu.memref_slice %arg2[%dma_start3A_164, %add3A_163] : memref<2x80000xi32, #tpu.memory_space<hbm>> -> memref<1x128xi32, #tpu.memory_space<hbm>>
      %dma_start3A_172 = tpu.memref_squeeze %dma_start3A_171 : memref<1x128xi32, #tpu.memory_space<hbm>> -> memref<128xi32, #tpu.memory_space<hbm>>
      tpu.enqueue_dma source(%dma_start3A_172 : memref<128xi32, #tpu.memory_space<hbm>>) target(%dma_start3A_170 : memref<128xi32, #tpu.memory_space<vmem>>) target_semaphore(%arg15 : memref<!tpu.dma_semaphore, #tpu.memory_space<semaphore_mem>>)
      %add3A_173 = arith.constant 4992 : i32
      %add3A_174 = arith.addi %mul3A_4, %add3A_173 : i32
      %dma_start3A_175 = arith.constant 0 : i32
      %dma_start3A_176 = arith.constant 4992 : i32
      %dma_start3A_177 = tpu.memref_slice %arg7[%dma_start3A_176] : memref<5120xi32, #tpu.memory_space<vmem>> -> memref<128xi32, #tpu.memory_space<vmem>>
      %dma_start3A_178 = tpu.memref_slice %arg2[%dma_start3A_175, %add3A_174] : memref<2x80000xi32, #tpu.memory_space<hbm>> -> memref<1x128xi32, #tpu.memory_space<hbm>>
      %dma_start3A_179 = tpu.memref_squeeze %dma_start3A_178 : memref<1x128xi32, #tpu.memory_space<hbm>> -> memref<128xi32, #tpu.memory_space<hbm>>
      %dma_start3A_180 = arith.constant 4992 : i32
      %dma_start3A_181 = tpu.memref_slice %arg7[%dma_start3A_180] : memref<5120xi32, #tpu.memory_space<vmem>> -> memref<128xi32, #tpu.memory_space<vmem>>
      %dma_start3A_182 = tpu.memref_slice %arg2[%dma_start3A_175, %add3A_174] : memref<2x80000xi32, #tpu.memory_space<hbm>> -> memref<1x128xi32, #tpu.memory_space<hbm>>
      %dma_start3A_183 = tpu.memref_squeeze %dma_start3A_182 : memref<1x128xi32, #tpu.memory_space<hbm>> -> memref<128xi32, #tpu.memory_space<hbm>>
      tpu.enqueue_dma source(%dma_start3A_183 : memref<128xi32, #tpu.memory_space<hbm>>) target(%dma_start3A_181 : memref<128xi32, #tpu.memory_space<vmem>>) target_semaphore(%arg15 : memref<!tpu.dma_semaphore, #tpu.memory_space<semaphore_mem>>)
      %add3A_184 = arith.constant 4992 : i32
      %add3A_185 = arith.addi %mul3A_4, %add3A_184 : i32
      %dma_start3A_186 = arith.constant 4992 : i32
      %dma_start3A_187 = tpu.memref_slice %arg9[%dma_start3A_186] : memref<5120xi32, #tpu.memory_space<vmem>> -> memref<128xi32, #tpu.memory_space<vmem>>
      %dma_start3A_188 = tpu.memref_slice %arg3[%add3A_185] : memref<80000xi32, #tpu.memory_space<hbm>> -> memref<128xi32, #tpu.memory_space<hbm>>
      %dma_start3A_189 = arith.constant 4992 : i32
      %dma_start3A_190 = tpu.memref_slice %arg9[%dma_start3A_189] : memref<5120xi32, #tpu.memory_space<vmem>> -> memref<128xi32, #tpu.memory_space<vmem>>
      %dma_start3A_191 = tpu.memref_slice %arg3[%add3A_185] : memref<80000xi32, #tpu.memory_space<hbm>> -> memref<128xi32, #tpu.memory_space<hbm>>
      tpu.enqueue_dma source(%dma_start3A_191 : memref<128xi32, #tpu.memory_space<hbm>>) target(%dma_start3A_190 : memref<128xi32, #tpu.memory_space<vmem>>) target_semaphore(%arg15 : memref<!tpu.dma_semaphore, #tpu.memory_space<semaphore_mem>>)
    } else {
    }
    %broadcast_in_dim3A = arith.constant 0.000000e+00 : f32
    %broadcast_in_dim3A_30 = vector.broadcast %broadcast_in_dim3A : f32 to vector<16xf32>
    %scan3A = arith.constant 0 : i32
    %scan3A_31 = arith.constant 514 : i32
    %scan3A_32 = arith.addi %scan3A, %scan3A_31 : i32
    %scan3A_33 = arith.constant 1 : i32
    scf.for %scan3A_162 = %scan3A to %scan3A_32 step %scan3A_33  : i32 {
      %mul3A_163 = arith.constant 1 : i32
      %mul3A_164 = arith.muli %scan3A_162, %mul3A_163 : i32
      %add3A_165 = arith.constant 0 : i32
      %add3A_166 = arith.addi %add3A_165, %mul3A_164 : i32
      %mul3A_167 = arith.constant 16 : i32
      %mul3A_168 = arith.muli %add3A_166, %mul3A_167 : i32
      %swap3A = arith.index_cast %mul3A_168 : i32 to index
      %swap3A_169 = tpu.vector_load %arg11[%swap3A] {strides = array<i32>} : memref<8224xf32, #tpu.memory_space<vmem>>, vector<16xf32>,
      %swap3A_170 = vector.shape_cast %swap3A_169 : vector<16xf32> to vector<16xf32>
      %swap3A_171 = vector.shape_cast %broadcast_in_dim3A_30 : vector<16xf32> to vector<16xf32>
      tpu.vector_store %arg11[%swap3A], %swap3A_171 {strides = array<i32>} : memref<8224xf32, #tpu.memory_space<vmem>>, vector<16xf32>,
    }
    %scan3A_34 = arith.constant 514 : i32
    %scan3A_35 = arith.constant 0 : i32
    %scan3A_36 = arith.constant 4 : i32
    %scan3A_37 = arith.addi %scan3A_35, %scan3A_36 : i32
    %scan3A_38 = arith.constant 1 : i32
    scf.for %scan3A_162 = %scan3A_35 to %scan3A_37 step %scan3A_38  : i32 {
      %mul3A_163 = arith.constant 1 : i32
      %mul3A_164 = arith.muli %scan3A_162, %mul3A_163 : i32
      %add3A_165 = arith.constant 0 : i32
      %add3A_166 = arith.addi %add3A_165, %mul3A_164 : i32
      %mul3A_167 = arith.constant 32896 : i32
      %mul3A_168 = arith.muli %arg1, %mul3A_167 : i32
      %mul3A_169 = arith.constant 8224 : i32
      %mul3A_170 = arith.muli %add3A_166, %mul3A_169 : i32
      %add3A_171 = arith.addi %mul3A_168, %mul3A_170 : i32
      %dma_start3A_172 = tpu.memref_slice %arg12[%add3A_171] : memref<526336xf32, #tpu.memory_space<vmem_shared>> -> memref<8224xf32, #tpu.memory_space<vmem_shared>>
      %dma_start3A_173 = tpu.memref_slice %arg12[%add3A_171] : memref<526336xf32, #tpu.memory_space<vmem_shared>> -> memref<8224xf32, #tpu.memory_space<vmem_shared>>
      tpu.enqueue_dma source(%arg11 : memref<8224xf32, #tpu.memory_space<vmem>>) target(%dma_start3A_173 : memref<8224xf32, #tpu.memory_space<vmem_shared>>) target_semaphore(%arg14 : memref<!tpu.dma_semaphore, #tpu.memory_space<semaphore_mem>>)
    }
    %scan3A_39 = arith.constant 4 : i32
    %dma_wait3A = arith.constant 1 : i32
    %dma_wait3A_40 = arith.constant 0 : i32
    %dma_wait3A_41 = tpu.memref_slice %arg6[%dma_wait3A_40] : memref<5120xi32, #tpu.memory_space<vmem>> -> memref<4992xi32, #tpu.memory_space<vmem>>
    %dma_wait3A_42 = tpu.memref_slice %arg2[%dma_wait3A, %mul3A_4] : memref<2x80000xi32, #tpu.memory_space<hbm>> -> memref<1x4992xi32, #tpu.memory_space<hbm>>
    %dma_wait3A_43 = tpu.memref_squeeze %dma_wait3A_42 : memref<1x4992xi32, #tpu.memory_space<hbm>> -> memref<4992xi32, #tpu.memory_space<hbm>>
    %dma_wait3A_44 = arith.constant 0 : i32
    %dma_wait3A_45 = tpu.memref_slice %arg6[%dma_wait3A_44] : memref<5120xi32, #tpu.memory_space<vmem>> -> memref<4992xi32, #tpu.memory_space<vmem>>
    %dma_wait3A_46 = tpu.memref_slice %arg2[%dma_wait3A, %mul3A_4] : memref<2x80000xi32, #tpu.memory_space<hbm>> -> memref<1x4992xi32, #tpu.memory_space<hbm>>
    %dma_wait3A_47 = tpu.memref_squeeze %dma_wait3A_46 : memref<1x4992xi32, #tpu.memory_space<hbm>> -> memref<4992xi32, #tpu.memory_space<hbm>>
    tpu.wait_dma2 semaphore(%arg15 : memref<!tpu.dma_semaphore, #tpu.memory_space<semaphore_mem>>) src(%dma_wait3A_47 : memref<4992xi32, #tpu.memory_space<hbm>>) dst(%dma_wait3A_45 : memref<4992xi32, #tpu.memory_space<vmem>>)
    %dma_wait3A_48 = arith.constant 0 : i32
    %dma_wait3A_49 = arith.constant 0 : i32
    %dma_wait3A_50 = tpu.memref_slice %arg7[%dma_wait3A_49] : memref<5120xi32, #tpu.memory_space<vmem>> -> memref<4992xi32, #tpu.memory_space<vmem>>
    %dma_wait3A_51 = tpu.memref_slice %arg2[%dma_wait3A_48, %mul3A_4] : memref<2x80000xi32, #tpu.memory_space<hbm>> -> memref<1x4992xi32, #tpu.memory_space<hbm>>
    %dma_wait3A_52 = tpu.memref_squeeze %dma_wait3A_51 : memref<1x4992xi32, #tpu.memory_space<hbm>> -> memref<4992xi32, #tpu.memory_space<hbm>>
    %dma_wait3A_53 = arith.constant 0 : i32
    %dma_wait3A_54 = tpu.memref_slice %arg7[%dma_wait3A_53] : memref<5120xi32, #tpu.memory_space<vmem>> -> memref<4992xi32, #tpu.memory_space<vmem>>
    %dma_wait3A_55 = tpu.memref_slice %arg2[%dma_wait3A_48, %mul3A_4] : memref<2x80000xi32, #tpu.memory_space<hbm>> -> memref<1x4992xi32, #tpu.memory_space<hbm>>
    %dma_wait3A_56 = tpu.memref_squeeze %dma_wait3A_55 : memref<1x4992xi32, #tpu.memory_space<hbm>> -> memref<4992xi32, #tpu.memory_space<hbm>>
    tpu.wait_dma2 semaphore(%arg15 : memref<!tpu.dma_semaphore, #tpu.memory_space<semaphore_mem>>) src(%dma_wait3A_56 : memref<4992xi32, #tpu.memory_space<hbm>>) dst(%dma_wait3A_54 : memref<4992xi32, #tpu.memory_space<vmem>>)
    %dma_wait3A_57 = arith.constant 0 : i32
    %dma_wait3A_58 = tpu.memref_slice %arg9[%dma_wait3A_57] : memref<5120xi32, #tpu.memory_space<vmem>> -> memref<4992xi32, #tpu.memory_space<vmem>>
    %dma_wait3A_59 = tpu.memref_slice %arg3[%mul3A_4] : memref<80000xi32, #tpu.memory_space<hbm>> -> memref<4992xi32, #tpu.memory_space<hbm>>
    %dma_wait3A_60 = arith.constant 0 : i32
    %dma_wait3A_61 = tpu.memref_slice %arg9[%dma_wait3A_60] : memref<5120xi32, #tpu.memory_space<vmem>> -> memref<4992xi32, #tpu.memory_space<vmem>>
    %dma_wait3A_62 = tpu.memref_slice %arg3[%mul3A_4] : memref<80000xi32, #tpu.memory_space<hbm>> -> memref<4992xi32, #tpu.memory_space<hbm>>
    tpu.wait_dma2 semaphore(%arg15 : memref<!tpu.dma_semaphore, #tpu.memory_space<semaphore_mem>>) src(%dma_wait3A_62 : memref<4992xi32, #tpu.memory_space<hbm>>) dst(%dma_wait3A_61 : memref<4992xi32, #tpu.memory_space<vmem>>)
    %convert_element_type3A_63 = arith.extui %eq3A_0 : i1 to i32
    %cond3A_64 = arith.constant 0 : i32
    %cond3A_65 = arith.cmpi ne, %convert_element_type3A_63, %cond3A_64 : i32
    scf.if %cond3A_65 {
      %add3A_162 = arith.constant 4992 : i32
      %add3A_163 = arith.addi %mul3A_4, %add3A_162 : i32
      %dma_wait3A_164 = arith.constant 4992 : i32
      %dma_wait3A_165 = tpu.memref_slice %arg9[%dma_wait3A_164] : memref<5120xi32, #tpu.memory_space<vmem>> -> memref<128xi32, #tpu.memory_space<vmem>>
      %dma_wait3A_166 = tpu.memref_slice %arg3[%add3A_163] : memref<80000xi32, #tpu.memory_space<hbm>> -> memref<128xi32, #tpu.memory_space<hbm>>
      %dma_wait3A_167 = arith.constant 4992 : i32
      %dma_wait3A_168 = tpu.memref_slice %arg9[%dma_wait3A_167] : memref<5120xi32, #tpu.memory_space<vmem>> -> memref<128xi32, #tpu.memory_space<vmem>>
      %dma_wait3A_169 = tpu.memref_slice %arg3[%add3A_163] : memref<80000xi32, #tpu.memory_space<hbm>> -> memref<128xi32, #tpu.memory_space<hbm>>
      tpu.wait_dma2 semaphore(%arg15 : memref<!tpu.dma_semaphore, #tpu.memory_space<semaphore_mem>>) src(%dma_wait3A_169 : memref<128xi32, #tpu.memory_space<hbm>>) dst(%dma_wait3A_168 : memref<128xi32, #tpu.memory_space<vmem>>)
      %add3A_170 = arith.constant 4992 : i32
      %add3A_171 = arith.addi %mul3A_4, %add3A_170 : i32
      %dma_wait3A_172 = arith.constant 4992 : i32
      %dma_wait3A_173 = tpu.memref_slice %arg9[%dma_wait3A_172] : memref<5120xi32, #tpu.memory_space<vmem>> -> memref<128xi32, #tpu.memory_space<vmem>>
      %dma_wait3A_174 = tpu.memref_slice %arg3[%add3A_171] : memref<80000xi32, #tpu.memory_space<hbm>> -> memref<128xi32, #tpu.memory_space<hbm>>
      %dma_wait3A_175 = arith.constant 4992 : i32
      %dma_wait3A_176 = tpu.memref_slice %arg9[%dma_wait3A_175] : memref<5120xi32, #tpu.memory_space<vmem>> -> memref<128xi32, #tpu.memory_space<vmem>>
      %dma_wait3A_177 = tpu.memref_slice %arg3[%add3A_171] : memref<80000xi32, #tpu.memory_space<hbm>> -> memref<128xi32, #tpu.memory_space<hbm>>
      tpu.wait_dma2 semaphore(%arg15 : memref<!tpu.dma_semaphore, #tpu.memory_space<semaphore_mem>>) src(%dma_wait3A_177 : memref<128xi32, #tpu.memory_space<hbm>>) dst(%dma_wait3A_176 : memref<128xi32, #tpu.memory_space<vmem>>)
      %add3A_178 = arith.constant 4992 : i32
      %add3A_179 = arith.addi %mul3A_4, %add3A_178 : i32
      %dma_wait3A_180 = arith.constant 4992 : i32
      %dma_wait3A_181 = tpu.memref_slice %arg9[%dma_wait3A_180] : memref<5120xi32, #tpu.memory_space<vmem>> -> memref<128xi32, #tpu.memory_space<vmem>>
      %dma_wait3A_182 = tpu.memref_slice %arg3[%add3A_179] : memref<80000xi32, #tpu.memory_space<hbm>> -> memref<128xi32, #tpu.memory_space<hbm>>
      %dma_wait3A_183 = arith.constant 4992 : i32
      %dma_wait3A_184 = tpu.memref_slice %arg9[%dma_wait3A_183] : memref<5120xi32, #tpu.memory_space<vmem>> -> memref<128xi32, #tpu.memory_space<vmem>>
      %dma_wait3A_185 = tpu.memref_slice %arg3[%add3A_179] : memref<80000xi32, #tpu.memory_space<hbm>> -> memref<128xi32, #tpu.memory_space<hbm>>
      tpu.wait_dma2 semaphore(%arg15 : memref<!tpu.dma_semaphore, #tpu.memory_space<semaphore_mem>>) src(%dma_wait3A_185 : memref<128xi32, #tpu.memory_space<hbm>>) dst(%dma_wait3A_184 : memref<128xi32, #tpu.memory_space<vmem>>)
    } else {
    }
    %sub3A = arith.constant 0 : i32
    %sub3A_66 = arith.subi %add3A_1, %sub3A : i32
    %sub3A_67 = arith.constant 1 : i32
    %sub3A_68 = arith.constant 1 : i32
    %sub3A_69 = arith.subi %sub3A_67, %sub3A_68 : i32
    %add3A_70 = arith.addi %sub3A_66, %sub3A_69 : i32
    %div3A = arith.constant 1 : i32
    %div3A_71 = arith.divsi %add3A_70, %div3A : i32
    %while3A = arith.constant 1 : i32
    %while3A_72 = arith.constant 0 : i32
    %while3A_73 = arith.constant 0 : i32
    %while3A_74 = arith.subi %div3A_71, %while3A_73 : i32
    %while3A_75 = arith.addi %while3A_73, %while3A_74 : i32
    %while3A_76 = arith.constant 1 : i32
    %while3A_77 = arith.divsi %while3A_74, %while3A_76 : i32
    %while3A_78 = arith.muli %while3A_77, %while3A_76 : i32
    %while3A_79 = arith.addi %while3A_73, %while3A_78 : i32
    %while3A_80 = arith.constant 1 : i32
    scf.for %while3A_162 = %while3A_73 to %while3A_79 step %while3A_80  : i32 {
      %mul3A_163 = arith.muli %while3A_162, %while3A : i32
      %add3A_164 = arith.addi %while3A_72, %mul3A_163 : i32
      %mul3A_165 = arith.constant 128 : i32
      %mul3A_166 = arith.muli %add3A_164, %mul3A_165 : i32
      %dma_start3A_167 = arith.constant 0 : i32
      %dma_start3A_168 = tpu.memref_slice %arg10[%add3A_164, %dma_start3A_167] : memref<40x128xf32, #tpu.memory_space<vmem>> -> memref<1x128xf32, #tpu.memory_space<vmem>>
      %dma_start3A_169 = tpu.memref_squeeze %dma_start3A_168 : memref<1x128xf32, #tpu.memory_space<vmem>> -> memref<128xf32, #tpu.memory_space<vmem>>
      %dma_start3A_170 = tpu.memref_slice %arg9[%mul3A_166] : memref<5120xi32, #tpu.memory_space<vmem>> -> memref<128xi32, #tpu.memory_space<vmem>>
      %dma_start3A_171 = arith.constant 0 : i32
      %dma_start3A_172 = tpu.memref_slice %arg4[%dma_start3A_171] : memref<400000xf32, #tpu.memory_space<hbm>> -> memref<400000xf32, #tpu.memory_space<hbm>>
      tpu.enqueue_indirect_dma source(%dma_start3A_172 : memref<400000xf32, #tpu.memory_space<hbm>>) target(%dma_start3A_169 : memref<128xf32, #tpu.memory_space<vmem>>) offsets(%dma_start3A_170 : memref<128xi32, #tpu.memory_space<vmem>>) semaphore(%arg13 : memref<!tpu.dma_semaphore, #tpu.memory_space<semaphore_mem>>)
    }
    %while3A_81 = arith.constant 1 : i32
    scf.for %while3A_162 = %while3A_79 to %while3A_75 step %while3A_81  : i32 {
      %mul3A_163 = arith.muli %while3A_162, %while3A : i32
      %add3A_164 = arith.addi %while3A_72, %mul3A_163 : i32
      %mul3A_165 = arith.constant 128 : i32
      %mul3A_166 = arith.muli %add3A_164, %mul3A_165 : i32
      %dma_start3A_167 = arith.constant 0 : i32
      %dma_start3A_168 = tpu.memref_slice %arg10[%add3A_164, %dma_start3A_167] : memref<40x128xf32, #tpu.memory_space<vmem>> -> memref<1x128xf32, #tpu.memory_space<vmem>>
      %dma_start3A_169 = tpu.memref_squeeze %dma_start3A_168 : memref<1x128xf32, #tpu.memory_space<vmem>> -> memref<128xf32, #tpu.memory_space<vmem>>
      %dma_start3A_170 = tpu.memref_slice %arg9[%mul3A_166] : memref<5120xi32, #tpu.memory_space<vmem>> -> memref<128xi32, #tpu.memory_space<vmem>>
      %dma_start3A_171 = arith.constant 0 : i32
      %dma_start3A_172 = tpu.memref_slice %arg4[%dma_start3A_171] : memref<400000xf32, #tpu.memory_space<hbm>> -> memref<400000xf32, #tpu.memory_space<hbm>>
      tpu.enqueue_indirect_dma source(%dma_start3A_172 : memref<400000xf32, #tpu.memory_space<hbm>>) target(%dma_start3A_169 : memref<128xf32, #tpu.memory_space<vmem>>) offsets(%dma_start3A_170 : memref<128xi32, #tpu.memory_space<vmem>>) semaphore(%arg13 : memref<!tpu.dma_semaphore, #tpu.memory_space<semaphore_mem>>)
    }
    %scan3A_82 = arith.constant 0 : i32
    %scan3A_83 = arith.constant 40 : i32
    %scan3A_84 = arith.addi %scan3A_82, %scan3A_83 : i32
    %scan3A_85 = arith.constant 1 : i32
    scf.for %scan3A_162 = %scan3A_82 to %scan3A_84 step %scan3A_85  : i32 {
      %mul3A_163 = arith.constant 1 : i32
      %mul3A_164 = arith.muli %scan3A_162, %mul3A_163 : i32
      %add3A_165 = arith.constant 0 : i32
      %add3A_166 = arith.addi %add3A_165, %mul3A_164 : i32
      %mul3A_167 = arith.constant 128 : i32
      %mul3A_168 = arith.muli %add3A_166, %mul3A_167 : i32
      %add3A_169 = arith.constant 0 : i32
      %add3A_170 = arith.addi %mul3A_168, %add3A_169 : i32
      %get3A = arith.index_cast %add3A_170 : i32 to index
      %get3A_171 = tpu.vector_load %arg6[%get3A] {strides = array<i32>} : memref<5120xi32, #tpu.memory_space<vmem>>, vector<16xi32>,
      %get3A_172 = vector.shape_cast %get3A_171 : vector<16xi32> to vector<16xi32>
      %get3A_173 = arith.index_cast %add3A_170 : i32 to index
      %get3A_174 = tpu.vector_load %arg7[%get3A_173] {strides = array<i32>} : memref<5120xi32, #tpu.memory_space<vmem>>, vector<16xi32>,
      %get3A_175 = vector.shape_cast %get3A_174 : vector<16xi32> to vector<16xi32>
      %shift_right_logical3A = arith.constant 7 : i32
      %shift_right_logical3A_176 = vector.broadcast %shift_right_logical3A : i32 to vector<16xi32>
      %shift_right_logical3A_177 = arith.shrui %get3A_175, %shift_right_logical3A_176 : vector<16xi32>
      %shift_left3A = arith.constant 17 : i32
      %shift_left3A_178 = vector.broadcast %shift_left3A : i32 to vector<16xi32>
      %shift_left3A_179 = arith.shli %shift_right_logical3A_177, %shift_left3A_178 : vector<16xi32>
      %shift_left3A_180 = arith.constant 7 : i32
      %shift_left3A_181 = vector.broadcast %shift_left3A_180 : i32 to vector<16xi32>
      %shift_left3A_182 = arith.shli %get3A_172, %shift_left3A_181 : vector<16xi32>
      %add3A_183 = arith.addi %shift_left3A_179, %shift_left3A_182 : vector<16xi32>
      %and3A = arith.constant 127 : i32
      %and3A_184 = vector.broadcast %and3A : i32 to vector<16xi32>
      %and3A_185 = arith.andi %get3A_175, %and3A_184 : vector<16xi32>
      %add3A_186 = arith.addi %add3A_183, %and3A_185 : vector<16xi32>
      %shift_right_logical3A_187 = arith.constant 19 : i32
      %shift_right_logical3A_188 = vector.broadcast %shift_right_logical3A_187 : i32 to vector<16xi32>
      %shift_right_logical3A_189 = arith.shrui %add3A_186, %shift_right_logical3A_188 : vector<16xi32>
      %eq3A_190 = vector.broadcast %arg0 : i32 to vector<16xi32>
      %eq3A_191 = arith.cmpi eq, %shift_right_logical3A_189, %eq3A_190 : vector<16xi32>
      %and3A_192 = arith.constant 524287 : i32
      %and3A_193 = vector.broadcast %and3A_192 : i32 to vector<16xi32>
      %and3A_194 = arith.andi %add3A_186, %and3A_193 : vector<16xi32>
      %and3A_195 = arith.constant 127 : i32
      %and3A_196 = vector.broadcast %and3A_195 : i32 to vector<16xi32>
      %and3A_197 = arith.andi %add3A_186, %and3A_196 : vector<16xi32>
      %add3A_198 = arith.constant 524288 : i32
      %add3A_199 = vector.broadcast %add3A_198 : i32 to vector<16xi32>
      %add3A_200 = arith.addi %add3A_199, %and3A_197 : vector<16xi32>
      %select_n3A = arith.select %eq3A_191, %and3A_194, %add3A_200 : vector<16xi1>, vector<16xi32>
      %swap3A = arith.index_cast %add3A_166 : i32 to index
      %swap3A_201 = arith.constant 0 : index
      %swap3A_202 = tpu.vector_load %arg8[%swap3A, %swap3A_201] {strides = array<i32>} : memref<40x128xi32, #tpu.memory_space<vmem>>, vector<1x16xi32>,
      %swap3A_203 = vector.shape_cast %swap3A_202 : vector<1x16xi32> to vector<16xi32>
      %swap3A_204 = vector.shape_cast %select_n3A : vector<16xi32> to vector<1x16xi32>
      tpu.vector_store %arg8[%swap3A, %swap3A_201], %swap3A_204 {strides = array<i32>} : memref<40x128xi32, #tpu.memory_space<vmem>>, vector<1x16xi32>,
      %mul3A_205 = arith.constant 128 : i32
      %mul3A_206 = arith.muli %add3A_166, %mul3A_205 : i32
      %add3A_207 = arith.constant 16 : i32
      %add3A_208 = arith.addi %mul3A_206, %add3A_207 : i32
      %get3A_209 = arith.index_cast %add3A_208 : i32 to index
      %get3A_210 = tpu.vector_load %arg6[%get3A_209] {strides = array<i32>} : memref<5120xi32, #tpu.memory_space<vmem>>, vector<16xi32>,
      %get3A_211 = vector.shape_cast %get3A_210 : vector<16xi32> to vector<16xi32>
      %get3A_212 = arith.index_cast %add3A_208 : i32 to index
      %get3A_213 = tpu.vector_load %arg7[%get3A_212] {strides = array<i32>} : memref<5120xi32, #tpu.memory_space<vmem>>, vector<16xi32>,
      %get3A_214 = vector.shape_cast %get3A_213 : vector<16xi32> to vector<16xi32>
      %shift_right_logical3A_215 = arith.constant 7 : i32
      %shift_right_logical3A_216 = vector.broadcast %shift_right_logical3A_215 : i32 to vector<16xi32>
      %shift_right_logical3A_217 = arith.shrui %get3A_214, %shift_right_logical3A_216 : vector<16xi32>
      %shift_left3A_218 = arith.constant 17 : i32
      %shift_left3A_219 = vector.broadcast %shift_left3A_218 : i32 to vector<16xi32>
      %shift_left3A_220 = arith.shli %shift_right_logical3A_217, %shift_left3A_219 : vector<16xi32>
      %shift_left3A_221 = arith.constant 7 : i32
      %shift_left3A_222 = vector.broadcast %shift_left3A_221 : i32 to vector<16xi32>
      %shift_left3A_223 = arith.shli %get3A_211, %shift_left3A_222 : vector<16xi32>
      %add3A_224 = arith.addi %shift_left3A_220, %shift_left3A_223 : vector<16xi32>
      %and3A_225 = arith.constant 127 : i32
      %and3A_226 = vector.broadcast %and3A_225 : i32 to vector<16xi32>
      %and3A_227 = arith.andi %get3A_214, %and3A_226 : vector<16xi32>
      %add3A_228 = arith.addi %add3A_224, %and3A_227 : vector<16xi32>
      %shift_right_logical3A_229 = arith.constant 19 : i32
      %shift_right_logical3A_230 = vector.broadcast %shift_right_logical3A_229 : i32 to vector<16xi32>
      %shift_right_logical3A_231 = arith.shrui %add3A_228, %shift_right_logical3A_230 : vector<16xi32>
      %eq3A_232 = vector.broadcast %arg0 : i32 to vector<16xi32>
      %eq3A_233 = arith.cmpi eq, %shift_right_logical3A_231, %eq3A_232 : vector<16xi32>
      %and3A_234 = arith.constant 524287 : i32
      %and3A_235 = vector.broadcast %and3A_234 : i32 to vector<16xi32>
      %and3A_236 = arith.andi %add3A_228, %and3A_235 : vector<16xi32>
      %and3A_237 = arith.constant 127 : i32
      %and3A_238 = vector.broadcast %and3A_237 : i32 to vector<16xi32>
      %and3A_239 = arith.andi %add3A_228, %and3A_238 : vector<16xi32>
      %add3A_240 = arith.constant 524288 : i32
      %add3A_241 = vector.broadcast %add3A_240 : i32 to vector<16xi32>
      %add3A_242 = arith.addi %add3A_241, %and3A_239 : vector<16xi32>
      %select_n3A_243 = arith.select %eq3A_233, %and3A_236, %add3A_242 : vector<16xi1>, vector<16xi32>
      %swap3A_244 = arith.index_cast %add3A_166 : i32 to index
      %swap3A_245 = arith.constant 16 : index
      %swap3A_246 = tpu.vector_load %arg8[%swap3A_244, %swap3A_245] {strides = array<i32>} : memref<40x128xi32, #tpu.memory_space<vmem>>, vector<1x16xi32>,
      %swap3A_247 = vector.shape_cast %swap3A_246 : vector<1x16xi32> to vector<16xi32>
      %swap3A_248 = vector.shape_cast %select_n3A_243 : vector<16xi32> to vector<1x16xi32>
      tpu.vector_store %arg8[%swap3A_244, %swap3A_245], %swap3A_248 {strides = array<i32>} : memref<40x128xi32, #tpu.memory_space<vmem>>, vector<1x16xi32>,
      %mul3A_249 = arith.constant 128 : i32
      %mul3A_250 = arith.muli %add3A_166, %mul3A_249 : i32
      %add3A_251 = arith.constant 32 : i32
      %add3A_252 = arith.addi %mul3A_250, %add3A_251 : i32
      %get3A_253 = arith.index_cast %add3A_252 : i32 to index
      %get3A_254 = tpu.vector_load %arg6[%get3A_253] {strides = array<i32>} : memref<5120xi32, #tpu.memory_space<vmem>>, vector<16xi32>,
      %get3A_255 = vector.shape_cast %get3A_254 : vector<16xi32> to vector<16xi32>
      %get3A_256 = arith.index_cast %add3A_252 : i32 to index
      %get3A_257 = tpu.vector_load %arg7[%get3A_256] {strides = array<i32>} : memref<5120xi32, #tpu.memory_space<vmem>>, vector<16xi32>,
      %get3A_258 = vector.shape_cast %get3A_257 : vector<16xi32> to vector<16xi32>
      %shift_right_logical3A_259 = arith.constant 7 : i32
      %shift_right_logical3A_260 = vector.broadcast %shift_right_logical3A_259 : i32 to vector<16xi32>
      %shift_right_logical3A_261 = arith.shrui %get3A_258, %shift_right_logical3A_260 : vector<16xi32>
      %shift_left3A_262 = arith.constant 17 : i32
      %shift_left3A_263 = vector.broadcast %shift_left3A_262 : i32 to vector<16xi32>
      %shift_left3A_264 = arith.shli %shift_right_logical3A_261, %shift_left3A_263 : vector<16xi32>
      %shift_left3A_265 = arith.constant 7 : i32
      %shift_left3A_266 = vector.broadcast %shift_left3A_265 : i32 to vector<16xi32>
      %shift_left3A_267 = arith.shli %get3A_255, %shift_left3A_266 : vector<16xi32>
      %add3A_268 = arith.addi %shift_left3A_264, %shift_left3A_267 : vector<16xi32>
      %and3A_269 = arith.constant 127 : i32
      %and3A_270 = vector.broadcast %and3A_269 : i32 to vector<16xi32>
      %and3A_271 = arith.andi %get3A_258, %and3A_270 : vector<16xi32>
      %add3A_272 = arith.addi %add3A_268, %and3A_271 : vector<16xi32>
      %shift_right_logical3A_273 = arith.constant 19 : i32
      %shift_right_logical3A_274 = vector.broadcast %shift_right_logical3A_273 : i32 to vector<16xi32>
      %shift_right_logical3A_275 = arith.shrui %add3A_272, %shift_right_logical3A_274 : vector<16xi32>
      %eq3A_276 = vector.broadcast %arg0 : i32 to vector<16xi32>
      %eq3A_277 = arith.cmpi eq, %shift_right_logical3A_275, %eq3A_276 : vector<16xi32>
      %and3A_278 = arith.constant 524287 : i32
      %and3A_279 = vector.broadcast %and3A_278 : i32 to vector<16xi32>
      %and3A_280 = arith.andi %add3A_272, %and3A_279 : vector<16xi32>
      %and3A_281 = arith.constant 127 : i32
      %and3A_282 = vector.broadcast %and3A_281 : i32 to vector<16xi32>
      %and3A_283 = arith.andi %add3A_272, %and3A_282 : vector<16xi32>
      %add3A_284 = arith.constant 524288 : i32
      %add3A_285 = vector.broadcast %add3A_284 : i32 to vector<16xi32>
      %add3A_286 = arith.addi %add3A_285, %and3A_283 : vector<16xi32>
      %select_n3A_287 = arith.select %eq3A_277, %and3A_280, %add3A_286 : vector<16xi1>, vector<16xi32>
      %swap3A_288 = arith.index_cast %add3A_166 : i32 to index
      %swap3A_289 = arith.constant 32 : index
      %swap3A_290 = tpu.vector_load %arg8[%swap3A_288, %swap3A_289] {strides = array<i32>} : memref<40x128xi32, #tpu.memory_space<vmem>>, vector<1x16xi32>,
      %swap3A_291 = vector.shape_cast %swap3A_290 : vector<1x16xi32> to vector<16xi32>
      %swap3A_292 = vector.shape_cast %select_n3A_287 : vector<16xi32> to vector<1x16xi32>
      tpu.vector_store %arg8[%swap3A_288, %swap3A_289], %swap3A_292 {strides = array<i32>} : memref<40x128xi32, #tpu.memory_space<vmem>>, vector<1x16xi32>,
      %mul3A_293 = arith.constant 128 : i32
      %mul3A_294 = arith.muli %add3A_166, %mul3A_293 : i32
      %add3A_295 = arith.constant 48 : i32
      %add3A_296 = arith.addi %mul3A_294, %add3A_295 : i32
      %get3A_297 = arith.index_cast %add3A_296 : i32 to index
      %get3A_298 = tpu.vector_load %arg6[%get3A_297] {strides = array<i32>} : memref<5120xi32, #tpu.memory_space<vmem>>, vector<16xi32>,
      %get3A_299 = vector.shape_cast %get3A_298 : vector<16xi32> to vector<16xi32>
      %get3A_300 = arith.index_cast %add3A_296 : i32 to index
      %get3A_301 = tpu.vector_load %arg7[%get3A_300] {strides = array<i32>} : memref<5120xi32, #tpu.memory_space<vmem>>, vector<16xi32>,
      %get3A_302 = vector.shape_cast %get3A_301 : vector<16xi32> to vector<16xi32>
      %shift_right_logical3A_303 = arith.constant 7 : i32
      %shift_right_logical3A_304 = vector.broadcast %shift_right_logical3A_303 : i32 to vector<16xi32>
      %shift_right_logical3A_305 = arith.shrui %get3A_302, %shift_right_logical3A_304 : vector<16xi32>
      %shift_left3A_306 = arith.constant 17 : i32
      %shift_left3A_307 = vector.broadcast %shift_left3A_306 : i32 to vector<16xi32>
      %shift_left3A_308 = arith.shli %shift_right_logical3A_305, %shift_left3A_307 : vector<16xi32>
      %shift_left3A_309 = arith.constant 7 : i32
      %shift_left3A_310 = vector.broadcast %shift_left3A_309 : i32 to vector<16xi32>
      %shift_left3A_311 = arith.shli %get3A_299, %shift_left3A_310 : vector<16xi32>
      %add3A_312 = arith.addi %shift_left3A_308, %shift_left3A_311 : vector<16xi32>
      %and3A_313 = arith.constant 127 : i32
      %and3A_314 = vector.broadcast %and3A_313 : i32 to vector<16xi32>
      %and3A_315 = arith.andi %get3A_302, %and3A_314 : vector<16xi32>
      %add3A_316 = arith.addi %add3A_312, %and3A_315 : vector<16xi32>
      %shift_right_logical3A_317 = arith.constant 19 : i32
      %shift_right_logical3A_318 = vector.broadcast %shift_right_logical3A_317 : i32 to vector<16xi32>
      %shift_right_logical3A_319 = arith.shrui %add3A_316, %shift_right_logical3A_318 : vector<16xi32>
      %eq3A_320 = vector.broadcast %arg0 : i32 to vector<16xi32>
      %eq3A_321 = arith.cmpi eq, %shift_right_logical3A_319, %eq3A_320 : vector<16xi32>
      %and3A_322 = arith.constant 524287 : i32
      %and3A_323 = vector.broadcast %and3A_322 : i32 to vector<16xi32>
      %and3A_324 = arith.andi %add3A_316, %and3A_323 : vector<16xi32>
      %and3A_325 = arith.constant 127 : i32
      %and3A_326 = vector.broadcast %and3A_325 : i32 to vector<16xi32>
      %and3A_327 = arith.andi %add3A_316, %and3A_326 : vector<16xi32>
      %add3A_328 = arith.constant 524288 : i32
      %add3A_329 = vector.broadcast %add3A_328 : i32 to vector<16xi32>
      %add3A_330 = arith.addi %add3A_329, %and3A_327 : vector<16xi32>
      %select_n3A_331 = arith.select %eq3A_321, %and3A_324, %add3A_330 : vector<16xi1>, vector<16xi32>
      %swap3A_332 = arith.index_cast %add3A_166 : i32 to index
      %swap3A_333 = arith.constant 48 : index
      %swap3A_334 = tpu.vector_load %arg8[%swap3A_332, %swap3A_333] {strides = array<i32>} : memref<40x128xi32, #tpu.memory_space<vmem>>, vector<1x16xi32>,
      %swap3A_335 = vector.shape_cast %swap3A_334 : vector<1x16xi32> to vector<16xi32>
      %swap3A_336 = vector.shape_cast %select_n3A_331 : vector<16xi32> to vector<1x16xi32>
      tpu.vector_store %arg8[%swap3A_332, %swap3A_333], %swap3A_336 {strides = array<i32>} : memref<40x128xi32, #tpu.memory_space<vmem>>, vector<1x16xi32>,
      %mul3A_337 = arith.constant 128 : i32
      %mul3A_338 = arith.muli %add3A_166, %mul3A_337 : i32
      %add3A_339 = arith.constant 64 : i32
      %add3A_340 = arith.addi %mul3A_338, %add3A_339 : i32
      %get3A_341 = arith.index_cast %add3A_340 : i32 to index
      %get3A_342 = tpu.vector_load %arg6[%get3A_341] {strides = array<i32>} : memref<5120xi32, #tpu.memory_space<vmem>>, vector<16xi32>,
      %get3A_343 = vector.shape_cast %get3A_342 : vector<16xi32> to vector<16xi32>
      %get3A_344 = arith.index_cast %add3A_340 : i32 to index
      %get3A_345 = tpu.vector_load %arg7[%get3A_344] {strides = array<i32>} : memref<5120xi32, #tpu.memory_space<vmem>>, vector<16xi32>,
      %get3A_346 = vector.shape_cast %get3A_345 : vector<16xi32> to vector<16xi32>
      %shift_right_logical3A_347 = arith.constant 7 : i32
      %shift_right_logical3A_348 = vector.broadcast %shift_right_logical3A_347 : i32 to vector<16xi32>
      %shift_right_logical3A_349 = arith.shrui %get3A_346, %shift_right_logical3A_348 : vector<16xi32>
      %shift_left3A_350 = arith.constant 17 : i32
      %shift_left3A_351 = vector.broadcast %shift_left3A_350 : i32 to vector<16xi32>
      %shift_left3A_352 = arith.shli %shift_right_logical3A_349, %shift_left3A_351 : vector<16xi32>
      %shift_left3A_353 = arith.constant 7 : i32
      %shift_left3A_354 = vector.broadcast %shift_left3A_353 : i32 to vector<16xi32>
      %shift_left3A_355 = arith.shli %get3A_343, %shift_left3A_354 : vector<16xi32>
      %add3A_356 = arith.addi %shift_left3A_352, %shift_left3A_355 : vector<16xi32>
      %and3A_357 = arith.constant 127 : i32
      %and3A_358 = vector.broadcast %and3A_357 : i32 to vector<16xi32>
      %and3A_359 = arith.andi %get3A_346, %and3A_358 : vector<16xi32>
      %add3A_360 = arith.addi %add3A_356, %and3A_359 : vector<16xi32>
      %shift_right_logical3A_361 = arith.constant 19 : i32
      %shift_right_logical3A_362 = vector.broadcast %shift_right_logical3A_361 : i32 to vector<16xi32>
      %shift_right_logical3A_363 = arith.shrui %add3A_360, %shift_right_logical3A_362 : vector<16xi32>
      %eq3A_364 = vector.broadcast %arg0 : i32 to vector<16xi32>
      %eq3A_365 = arith.cmpi eq, %shift_right_logical3A_363, %eq3A_364 : vector<16xi32>
      %and3A_366 = arith.constant 524287 : i32
      %and3A_367 = vector.broadcast %and3A_366 : i32 to vector<16xi32>
      %and3A_368 = arith.andi %add3A_360, %and3A_367 : vector<16xi32>
      %and3A_369 = arith.constant 127 : i32
      %and3A_370 = vector.broadcast %and3A_369 : i32 to vector<16xi32>
      %and3A_371 = arith.andi %add3A_360, %and3A_370 : vector<16xi32>
      %add3A_372 = arith.constant 524288 : i32
      %add3A_373 = vector.broadcast %add3A_372 : i32 to vector<16xi32>
      %add3A_374 = arith.addi %add3A_373, %and3A_371 : vector<16xi32>
      %select_n3A_375 = arith.select %eq3A_365, %and3A_368, %add3A_374 : vector<16xi1>, vector<16xi32>
      %swap3A_376 = arith.index_cast %add3A_166 : i32 to index
      %swap3A_377 = arith.constant 64 : index
      %swap3A_378 = tpu.vector_load %arg8[%swap3A_376, %swap3A_377] {strides = array<i32>} : memref<40x128xi32, #tpu.memory_space<vmem>>, vector<1x16xi32>,
      %swap3A_379 = vector.shape_cast %swap3A_378 : vector<1x16xi32> to vector<16xi32>
      %swap3A_380 = vector.shape_cast %select_n3A_375 : vector<16xi32> to vector<1x16xi32>
      tpu.vector_store %arg8[%swap3A_376, %swap3A_377], %swap3A_380 {strides = array<i32>} : memref<40x128xi32, #tpu.memory_space<vmem>>, vector<1x16xi32>,
      %mul3A_381 = arith.constant 128 : i32
      %mul3A_382 = arith.muli %add3A_166, %mul3A_381 : i32
      %add3A_383 = arith.constant 80 : i32
      %add3A_384 = arith.addi %mul3A_382, %add3A_383 : i32
      %get3A_385 = arith.index_cast %add3A_384 : i32 to index
      %get3A_386 = tpu.vector_load %arg6[%get3A_385] {strides = array<i32>} : memref<5120xi32, #tpu.memory_space<vmem>>, vector<16xi32>,
      %get3A_387 = vector.shape_cast %get3A_386 : vector<16xi32> to vector<16xi32>
      %get3A_388 = arith.index_cast %add3A_384 : i32 to index
      %get3A_389 = tpu.vector_load %arg7[%get3A_388] {strides = array<i32>} : memref<5120xi32, #tpu.memory_space<vmem>>, vector<16xi32>,
      %get3A_390 = vector.shape_cast %get3A_389 : vector<16xi32> to vector<16xi32>
      %shift_right_logical3A_391 = arith.constant 7 : i32
      %shift_right_logical3A_392 = vector.broadcast %shift_right_logical3A_391 : i32 to vector<16xi32>
      %shift_right_logical3A_393 = arith.shrui %get3A_390, %shift_right_logical3A_392 : vector<16xi32>
      %shift_left3A_394 = arith.constant 17 : i32
      %shift_left3A_395 = vector.broadcast %shift_left3A_394 : i32 to vector<16xi32>
      %shift_left3A_396 = arith.shli %shift_right_logical3A_393, %shift_left3A_395 : vector<16xi32>
      %shift_left3A_397 = arith.constant 7 : i32
      %shift_left3A_398 = vector.broadcast %shift_left3A_397 : i32 to vector<16xi32>
      %shift_left3A_399 = arith.shli %get3A_387, %shift_left3A_398 : vector<16xi32>
      %add3A_400 = arith.addi %shift_left3A_396, %shift_left3A_399 : vector<16xi32>
      %and3A_401 = arith.constant 127 : i32
      %and3A_402 = vector.broadcast %and3A_401 : i32 to vector<16xi32>
      %and3A_403 = arith.andi %get3A_390, %and3A_402 : vector<16xi32>
      %add3A_404 = arith.addi %add3A_400, %and3A_403 : vector<16xi32>
      %shift_right_logical3A_405 = arith.constant 19 : i32
      %shift_right_logical3A_406 = vector.broadcast %shift_right_logical3A_405 : i32 to vector<16xi32>
      %shift_right_logical3A_407 = arith.shrui %add3A_404, %shift_right_logical3A_406 : vector<16xi32>
      %eq3A_408 = vector.broadcast %arg0 : i32 to vector<16xi32>
      %eq3A_409 = arith.cmpi eq, %shift_right_logical3A_407, %eq3A_408 : vector<16xi32>
      %and3A_410 = arith.constant 524287 : i32
      %and3A_411 = vector.broadcast %and3A_410 : i32 to vector<16xi32>
      %and3A_412 = arith.andi %add3A_404, %and3A_411 : vector<16xi32>
      %and3A_413 = arith.constant 127 : i32
      %and3A_414 = vector.broadcast %and3A_413 : i32 to vector<16xi32>
      %and3A_415 = arith.andi %add3A_404, %and3A_414 : vector<16xi32>
      %add3A_416 = arith.constant 524288 : i32
      %add3A_417 = vector.broadcast %add3A_416 : i32 to vector<16xi32>
      %add3A_418 = arith.addi %add3A_417, %and3A_415 : vector<16xi32>
      %select_n3A_419 = arith.select %eq3A_409, %and3A_412, %add3A_418 : vector<16xi1>, vector<16xi32>
      %swap3A_420 = arith.index_cast %add3A_166 : i32 to index
      %swap3A_421 = arith.constant 80 : index
      %swap3A_422 = tpu.vector_load %arg8[%swap3A_420, %swap3A_421] {strides = array<i32>} : memref<40x128xi32, #tpu.memory_space<vmem>>, vector<1x16xi32>,
      %swap3A_423 = vector.shape_cast %swap3A_422 : vector<1x16xi32> to vector<16xi32>
      %swap3A_424 = vector.shape_cast %select_n3A_419 : vector<16xi32> to vector<1x16xi32>
      tpu.vector_store %arg8[%swap3A_420, %swap3A_421], %swap3A_424 {strides = array<i32>} : memref<40x128xi32, #tpu.memory_space<vmem>>, vector<1x16xi32>,
      %mul3A_425 = arith.constant 128 : i32
      %mul3A_426 = arith.muli %add3A_166, %mul3A_425 : i32
      %add3A_427 = arith.constant 96 : i32
      %add3A_428 = arith.addi %mul3A_426, %add3A_427 : i32
      %get3A_429 = arith.index_cast %add3A_428 : i32 to index
      %get3A_430 = tpu.vector_load %arg6[%get3A_429] {strides = array<i32>} : memref<5120xi32, #tpu.memory_space<vmem>>, vector<16xi32>,
      %get3A_431 = vector.shape_cast %get3A_430 : vector<16xi32> to vector<16xi32>
      %get3A_432 = arith.index_cast %add3A_428 : i32 to index
      %get3A_433 = tpu.vector_load %arg7[%get3A_432] {strides = array<i32>} : memref<5120xi32, #tpu.memory_space<vmem>>, vector<16xi32>,
      %get3A_434 = vector.shape_cast %get3A_433 : vector<16xi32> to vector<16xi32>
      %shift_right_logical3A_435 = arith.constant 7 : i32
      %shift_right_logical3A_436 = vector.broadcast %shift_right_logical3A_435 : i32 to vector<16xi32>
      %shift_right_logical3A_437 = arith.shrui %get3A_434, %shift_right_logical3A_436 : vector<16xi32>
      %shift_left3A_438 = arith.constant 17 : i32
      %shift_left3A_439 = vector.broadcast %shift_left3A_438 : i32 to vector<16xi32>
      %shift_left3A_440 = arith.shli %shift_right_logical3A_437, %shift_left3A_439 : vector<16xi32>
      %shift_left3A_441 = arith.constant 7 : i32
      %shift_left3A_442 = vector.broadcast %shift_left3A_441 : i32 to vector<16xi32>
      %shift_left3A_443 = arith.shli %get3A_431, %shift_left3A_442 : vector<16xi32>
      %add3A_444 = arith.addi %shift_left3A_440, %shift_left3A_443 : vector<16xi32>
      %and3A_445 = arith.constant 127 : i32
      %and3A_446 = vector.broadcast %and3A_445 : i32 to vector<16xi32>
      %and3A_447 = arith.andi %get3A_434, %and3A_446 : vector<16xi32>
      %add3A_448 = arith.addi %add3A_444, %and3A_447 : vector<16xi32>
      %shift_right_logical3A_449 = arith.constant 19 : i32
      %shift_right_logical3A_450 = vector.broadcast %shift_right_logical3A_449 : i32 to vector<16xi32>
      %shift_right_logical3A_451 = arith.shrui %add3A_448, %shift_right_logical3A_450 : vector<16xi32>
      %eq3A_452 = vector.broadcast %arg0 : i32 to vector<16xi32>
      %eq3A_453 = arith.cmpi eq, %shift_right_logical3A_451, %eq3A_452 : vector<16xi32>
      %and3A_454 = arith.constant 524287 : i32
      %and3A_455 = vector.broadcast %and3A_454 : i32 to vector<16xi32>
      %and3A_456 = arith.andi %add3A_448, %and3A_455 : vector<16xi32>
      %and3A_457 = arith.constant 127 : i32
      %and3A_458 = vector.broadcast %and3A_457 : i32 to vector<16xi32>
      %and3A_459 = arith.andi %add3A_448, %and3A_458 : vector<16xi32>
      %add3A_460 = arith.constant 524288 : i32
      %add3A_461 = vector.broadcast %add3A_460 : i32 to vector<16xi32>
      %add3A_462 = arith.addi %add3A_461, %and3A_459 : vector<16xi32>
      %select_n3A_463 = arith.select %eq3A_453, %and3A_456, %add3A_462 : vector<16xi1>, vector<16xi32>
      %swap3A_464 = arith.index_cast %add3A_166 : i32 to index
      %swap3A_465 = arith.constant 96 : index
      %swap3A_466 = tpu.vector_load %arg8[%swap3A_464, %swap3A_465] {strides = array<i32>} : memref<40x128xi32, #tpu.memory_space<vmem>>, vector<1x16xi32>,
      %swap3A_467 = vector.shape_cast %swap3A_466 : vector<1x16xi32> to vector<16xi32>
      %swap3A_468 = vector.shape_cast %select_n3A_463 : vector<16xi32> to vector<1x16xi32>
      tpu.vector_store %arg8[%swap3A_464, %swap3A_465], %swap3A_468 {strides = array<i32>} : memref<40x128xi32, #tpu.memory_space<vmem>>, vector<1x16xi32>,
      %mul3A_469 = arith.constant 128 : i32
      %mul3A_470 = arith.muli %add3A_166, %mul3A_469 : i32
      %add3A_471 = arith.constant 112 : i32
      %add3A_472 = arith.addi %mul3A_470, %add3A_471 : i32
      %get3A_473 = arith.index_cast %add3A_472 : i32 to index
      %get3A_474 = tpu.vector_load %arg6[%get3A_473] {strides = array<i32>} : memref<5120xi32, #tpu.memory_space<vmem>>, vector<16xi32>,
      %get3A_475 = vector.shape_cast %get3A_474 : vector<16xi32> to vector<16xi32>
      %get3A_476 = arith.index_cast %add3A_472 : i32 to index
      %get3A_477 = tpu.vector_load %arg7[%get3A_476] {strides = array<i32>} : memref<5120xi32, #tpu.memory_space<vmem>>, vector<16xi32>,
      %get3A_478 = vector.shape_cast %get3A_477 : vector<16xi32> to vector<16xi32>
      %shift_right_logical3A_479 = arith.constant 7 : i32
      %shift_right_logical3A_480 = vector.broadcast %shift_right_logical3A_479 : i32 to vector<16xi32>
      %shift_right_logical3A_481 = arith.shrui %get3A_478, %shift_right_logical3A_480 : vector<16xi32>
      %shift_left3A_482 = arith.constant 17 : i32
      %shift_left3A_483 = vector.broadcast %shift_left3A_482 : i32 to vector<16xi32>
      %shift_left3A_484 = arith.shli %shift_right_logical3A_481, %shift_left3A_483 : vector<16xi32>
      %shift_left3A_485 = arith.constant 7 : i32
      %shift_left3A_486 = vector.broadcast %shift_left3A_485 : i32 to vector<16xi32>
      %shift_left3A_487 = arith.shli %get3A_475, %shift_left3A_486 : vector<16xi32>
      %add3A_488 = arith.addi %shift_left3A_484, %shift_left3A_487 : vector<16xi32>
      %and3A_489 = arith.constant 127 : i32
      %and3A_490 = vector.broadcast %and3A_489 : i32 to vector<16xi32>
      %and3A_491 = arith.andi %get3A_478, %and3A_490 : vector<16xi32>
      %add3A_492 = arith.addi %add3A_488, %and3A_491 : vector<16xi32>
      %shift_right_logical3A_493 = arith.constant 19 : i32
      %shift_right_logical3A_494 = vector.broadcast %shift_right_logical3A_493 : i32 to vector<16xi32>
      %shift_right_logical3A_495 = arith.shrui %add3A_492, %shift_right_logical3A_494 : vector<16xi32>
      %eq3A_496 = vector.broadcast %arg0 : i32 to vector<16xi32>
      %eq3A_497 = arith.cmpi eq, %shift_right_logical3A_495, %eq3A_496 : vector<16xi32>
      %and3A_498 = arith.constant 524287 : i32
      %and3A_499 = vector.broadcast %and3A_498 : i32 to vector<16xi32>
      %and3A_500 = arith.andi %add3A_492, %and3A_499 : vector<16xi32>
      %and3A_501 = arith.constant 127 : i32
      %and3A_502 = vector.broadcast %and3A_501 : i32 to vector<16xi32>
      %and3A_503 = arith.andi %add3A_492, %and3A_502 : vector<16xi32>
      %add3A_504 = arith.constant 524288 : i32
      %add3A_505 = vector.broadcast %add3A_504 : i32 to vector<16xi32>
      %add3A_506 = arith.addi %add3A_505, %and3A_503 : vector<16xi32>
      %select_n3A_507 = arith.select %eq3A_497, %and3A_500, %add3A_506 : vector<16xi1>, vector<16xi32>
      %swap3A_508 = arith.index_cast %add3A_166 : i32 to index
      %swap3A_509 = arith.constant 112 : index
      %swap3A_510 = tpu.vector_load %arg8[%swap3A_508, %swap3A_509] {strides = array<i32>} : memref<40x128xi32, #tpu.memory_space<vmem>>, vector<1x16xi32>,
      %swap3A_511 = vector.shape_cast %swap3A_510 : vector<1x16xi32> to vector<16xi32>
      %swap3A_512 = vector.shape_cast %select_n3A_507 : vector<16xi32> to vector<1x16xi32>
      tpu.vector_store %arg8[%swap3A_508, %swap3A_509], %swap3A_512 {strides = array<i32>} : memref<40x128xi32, #tpu.memory_space<vmem>>, vector<1x16xi32>,
    }
    %scan3A_86 = arith.constant 40 : i32
    %sub3A_87 = arith.constant 0 : i32
    %sub3A_88 = arith.subi %add3A_1, %sub3A_87 : i32
    %sub3A_89 = arith.constant 1 : i32
    %sub3A_90 = arith.constant 1 : i32
    %sub3A_91 = arith.subi %sub3A_89, %sub3A_90 : i32
    %add3A_92 = arith.addi %sub3A_88, %sub3A_91 : i32
    %div3A_93 = arith.constant 1 : i32
    %div3A_94 = arith.divsi %add3A_92, %div3A_93 : i32
    %while3A_95 = arith.constant 1 : i32
    %while3A_96 = arith.constant 0 : i32
    %while3A_97 = arith.constant 0 : i32
    %while3A_98 = arith.subi %div3A_94, %while3A_97 : i32
    %while3A_99 = arith.addi %while3A_97, %while3A_98 : i32
    %while3A_100 = arith.constant 1 : i32
    %while3A_101 = arith.divsi %while3A_98, %while3A_100 : i32
    %while3A_102 = arith.muli %while3A_101, %while3A_100 : i32
    %while3A_103 = arith.addi %while3A_97, %while3A_102 : i32
    %while3A_104 = arith.constant 1 : i32
    scf.for %while3A_162 = %while3A_97 to %while3A_103 step %while3A_104  : i32 {
      %mul3A_163 = arith.muli %while3A_162, %while3A_95 : i32
      %add3A_164 = arith.addi %while3A_96, %mul3A_163 : i32
      %mul3A_165 = arith.constant 128 : i32
      %mul3A_166 = arith.muli %add3A_164, %mul3A_165 : i32
      %dma_wait3A_167 = arith.constant 0 : i32
      %dma_wait3A_168 = tpu.memref_slice %arg10[%add3A_164, %dma_wait3A_167] : memref<40x128xf32, #tpu.memory_space<vmem>> -> memref<1x128xf32, #tpu.memory_space<vmem>>
      %dma_wait3A_169 = tpu.memref_squeeze %dma_wait3A_168 : memref<1x128xf32, #tpu.memory_space<vmem>> -> memref<128xf32, #tpu.memory_space<vmem>>
      %dma_wait3A_170 = tpu.memref_slice %arg9[%mul3A_166] : memref<5120xi32, #tpu.memory_space<vmem>> -> memref<128xi32, #tpu.memory_space<vmem>>
      %dma_wait3A_171 = arith.constant 0 : i32
      %dma_wait3A_172 = tpu.memref_slice %arg4[%dma_wait3A_171] : memref<400000xf32, #tpu.memory_space<hbm>> -> memref<400000xf32, #tpu.memory_space<hbm>>
      tpu.wait_indirect_dma semaphore(%arg13 : memref<!tpu.dma_semaphore, #tpu.memory_space<semaphore_mem>>) src(%dma_wait3A_172 : memref<400000xf32, #tpu.memory_space<hbm>>) dst(%dma_wait3A_169 : memref<128xf32, #tpu.memory_space<vmem>>)
    }
    %while3A_105 = arith.constant 1 : i32
    scf.for %while3A_162 = %while3A_103 to %while3A_99 step %while3A_105  : i32 {
      %mul3A_163 = arith.muli %while3A_162, %while3A_95 : i32
      %add3A_164 = arith.addi %while3A_96, %mul3A_163 : i32
      %mul3A_165 = arith.constant 128 : i32
      %mul3A_166 = arith.muli %add3A_164, %mul3A_165 : i32
      %dma_wait3A_167 = arith.constant 0 : i32
      %dma_wait3A_168 = tpu.memref_slice %arg10[%add3A_164, %dma_wait3A_167] : memref<40x128xf32, #tpu.memory_space<vmem>> -> memref<1x128xf32, #tpu.memory_space<vmem>>
      %dma_wait3A_169 = tpu.memref_squeeze %dma_wait3A_168 : memref<1x128xf32, #tpu.memory_space<vmem>> -> memref<128xf32, #tpu.memory_space<vmem>>
      %dma_wait3A_170 = tpu.memref_slice %arg9[%mul3A_166] : memref<5120xi32, #tpu.memory_space<vmem>> -> memref<128xi32, #tpu.memory_space<vmem>>
      %dma_wait3A_171 = arith.constant 0 : i32
      %dma_wait3A_172 = tpu.memref_slice %arg4[%dma_wait3A_171] : memref<400000xf32, #tpu.memory_space<hbm>> -> memref<400000xf32, #tpu.memory_space<hbm>>
      tpu.wait_indirect_dma semaphore(%arg13 : memref<!tpu.dma_semaphore, #tpu.memory_space<semaphore_mem>>) src(%dma_wait3A_172 : memref<400000xf32, #tpu.memory_space<hbm>>) dst(%dma_wait3A_169 : memref<128xf32, #tpu.memory_space<vmem>>)
    }
    %scan3A_106 = arith.constant 0 : i32
    %scan3A_107 = arith.constant 40 : i32
    %scan3A_108 = arith.addi %scan3A_106, %scan3A_107 : i32
    %scan3A_109 = arith.constant 1 : i32
    scf.for %scan3A_162 = %scan3A_106 to %scan3A_108 step %scan3A_109  : i32 {
      %mul3A_163 = arith.constant 1 : i32
      %mul3A_164 = arith.muli %scan3A_162, %mul3A_163 : i32
      %add3A_165 = arith.constant 0 : i32
      %add3A_166 = arith.addi %add3A_165, %mul3A_164 : i32
      %get3A = arith.index_cast %add3A_166 : i32 to index
      %get3A_167 = arith.constant 0 : index
      %get3A_168 = tpu.vector_load %arg10[%get3A, %get3A_167] {strides = array<i32>} : memref<40x128xf32, #tpu.memory_space<vmem>>, vector<1x16xf32>,
      %get3A_169 = vector.shape_cast %get3A_168 : vector<1x16xf32> to vector<16xf32>
      %add3A_170 = arith.constant 5.120000e+02 : f32
      %add3A_171 = vector.broadcast %add3A_170 : f32 to vector<16xf32>
      %add3A_172 = arith.addf %get3A_169, %add3A_171 : vector<16xf32>
      %swap3A = arith.index_cast %add3A_166 : i32 to index
      %swap3A_173 = arith.constant 0 : index
      %swap3A_174 = tpu.vector_load %arg10[%swap3A, %swap3A_173] {strides = array<i32>} : memref<40x128xf32, #tpu.memory_space<vmem>>, vector<1x16xf32>,
      %swap3A_175 = vector.shape_cast %swap3A_174 : vector<1x16xf32> to vector<16xf32>
      %swap3A_176 = vector.shape_cast %add3A_172 : vector<16xf32> to vector<1x16xf32>
      tpu.vector_store %arg10[%swap3A, %swap3A_173], %swap3A_176 {strides = array<i32>} : memref<40x128xf32, #tpu.memory_space<vmem>>, vector<1x16xf32>,
      %get3A_177 = arith.index_cast %add3A_166 : i32 to index
      %get3A_178 = arith.constant 16 : index
      %get3A_179 = tpu.vector_load %arg10[%get3A_177, %get3A_178] {strides = array<i32>} : memref<40x128xf32, #tpu.memory_space<vmem>>, vector<1x16xf32>,
      %get3A_180 = vector.shape_cast %get3A_179 : vector<1x16xf32> to vector<16xf32>
      %add3A_181 = arith.constant 5.120000e+02 : f32
      %add3A_182 = vector.broadcast %add3A_181 : f32 to vector<16xf32>
      %add3A_183 = arith.addf %get3A_180, %add3A_182 : vector<16xf32>
      %swap3A_184 = arith.index_cast %add3A_166 : i32 to index
      %swap3A_185 = arith.constant 16 : index
      %swap3A_186 = tpu.vector_load %arg10[%swap3A_184, %swap3A_185] {strides = array<i32>} : memref<40x128xf32, #tpu.memory_space<vmem>>, vector<1x16xf32>,
      %swap3A_187 = vector.shape_cast %swap3A_186 : vector<1x16xf32> to vector<16xf32>
      %swap3A_188 = vector.shape_cast %add3A_183 : vector<16xf32> to vector<1x16xf32>
      tpu.vector_store %arg10[%swap3A_184, %swap3A_185], %swap3A_188 {strides = array<i32>} : memref<40x128xf32, #tpu.memory_space<vmem>>, vector<1x16xf32>,
      %get3A_189 = arith.index_cast %add3A_166 : i32 to index
      %get3A_190 = arith.constant 32 : index
      %get3A_191 = tpu.vector_load %arg10[%get3A_189, %get3A_190] {strides = array<i32>} : memref<40x128xf32, #tpu.memory_space<vmem>>, vector<1x16xf32>,
      %get3A_192 = vector.shape_cast %get3A_191 : vector<1x16xf32> to vector<16xf32>
      %add3A_193 = arith.constant 5.120000e+02 : f32
      %add3A_194 = vector.broadcast %add3A_193 : f32 to vector<16xf32>
      %add3A_195 = arith.addf %get3A_192, %add3A_194 : vector<16xf32>
      %swap3A_196 = arith.index_cast %add3A_166 : i32 to index
      %swap3A_197 = arith.constant 32 : index
      %swap3A_198 = tpu.vector_load %arg10[%swap3A_196, %swap3A_197] {strides = array<i32>} : memref<40x128xf32, #tpu.memory_space<vmem>>, vector<1x16xf32>,
      %swap3A_199 = vector.shape_cast %swap3A_198 : vector<1x16xf32> to vector<16xf32>
      %swap3A_200 = vector.shape_cast %add3A_195 : vector<16xf32> to vector<1x16xf32>
      tpu.vector_store %arg10[%swap3A_196, %swap3A_197], %swap3A_200 {strides = array<i32>} : memref<40x128xf32, #tpu.memory_space<vmem>>, vector<1x16xf32>,
      %get3A_201 = arith.index_cast %add3A_166 : i32 to index
      %get3A_202 = arith.constant 48 : index
      %get3A_203 = tpu.vector_load %arg10[%get3A_201, %get3A_202] {strides = array<i32>} : memref<40x128xf32, #tpu.memory_space<vmem>>, vector<1x16xf32>,
      %get3A_204 = vector.shape_cast %get3A_203 : vector<1x16xf32> to vector<16xf32>
      %add3A_205 = arith.constant 5.120000e+02 : f32
      %add3A_206 = vector.broadcast %add3A_205 : f32 to vector<16xf32>
      %add3A_207 = arith.addf %get3A_204, %add3A_206 : vector<16xf32>
      %swap3A_208 = arith.index_cast %add3A_166 : i32 to index
      %swap3A_209 = arith.constant 48 : index
      %swap3A_210 = tpu.vector_load %arg10[%swap3A_208, %swap3A_209] {strides = array<i32>} : memref<40x128xf32, #tpu.memory_space<vmem>>, vector<1x16xf32>,
      %swap3A_211 = vector.shape_cast %swap3A_210 : vector<1x16xf32> to vector<16xf32>
      %swap3A_212 = vector.shape_cast %add3A_207 : vector<16xf32> to vector<1x16xf32>
      tpu.vector_store %arg10[%swap3A_208, %swap3A_209], %swap3A_212 {strides = array<i32>} : memref<40x128xf32, #tpu.memory_space<vmem>>, vector<1x16xf32>,
      %get3A_213 = arith.index_cast %add3A_166 : i32 to index
      %get3A_214 = arith.constant 64 : index
      %get3A_215 = tpu.vector_load %arg10[%get3A_213, %get3A_214] {strides = array<i32>} : memref<40x128xf32, #tpu.memory_space<vmem>>, vector<1x16xf32>,
      %get3A_216 = vector.shape_cast %get3A_215 : vector<1x16xf32> to vector<16xf32>
      %add3A_217 = arith.constant 5.120000e+02 : f32
      %add3A_218 = vector.broadcast %add3A_217 : f32 to vector<16xf32>
      %add3A_219 = arith.addf %get3A_216, %add3A_218 : vector<16xf32>
      %swap3A_220 = arith.index_cast %add3A_166 : i32 to index
      %swap3A_221 = arith.constant 64 : index
      %swap3A_222 = tpu.vector_load %arg10[%swap3A_220, %swap3A_221] {strides = array<i32>} : memref<40x128xf32, #tpu.memory_space<vmem>>, vector<1x16xf32>,
      %swap3A_223 = vector.shape_cast %swap3A_222 : vector<1x16xf32> to vector<16xf32>
      %swap3A_224 = vector.shape_cast %add3A_219 : vector<16xf32> to vector<1x16xf32>
      tpu.vector_store %arg10[%swap3A_220, %swap3A_221], %swap3A_224 {strides = array<i32>} : memref<40x128xf32, #tpu.memory_space<vmem>>, vector<1x16xf32>,
      %get3A_225 = arith.index_cast %add3A_166 : i32 to index
      %get3A_226 = arith.constant 80 : index
      %get3A_227 = tpu.vector_load %arg10[%get3A_225, %get3A_226] {strides = array<i32>} : memref<40x128xf32, #tpu.memory_space<vmem>>, vector<1x16xf32>,
      %get3A_228 = vector.shape_cast %get3A_227 : vector<1x16xf32> to vector<16xf32>
      %add3A_229 = arith.constant 5.120000e+02 : f32
      %add3A_230 = vector.broadcast %add3A_229 : f32 to vector<16xf32>
      %add3A_231 = arith.addf %get3A_228, %add3A_230 : vector<16xf32>
      %swap3A_232 = arith.index_cast %add3A_166 : i32 to index
      %swap3A_233 = arith.constant 80 : index
      %swap3A_234 = tpu.vector_load %arg10[%swap3A_232, %swap3A_233] {strides = array<i32>} : memref<40x128xf32, #tpu.memory_space<vmem>>, vector<1x16xf32>,
      %swap3A_235 = vector.shape_cast %swap3A_234 : vector<1x16xf32> to vector<16xf32>
      %swap3A_236 = vector.shape_cast %add3A_231 : vector<16xf32> to vector<1x16xf32>
      tpu.vector_store %arg10[%swap3A_232, %swap3A_233], %swap3A_236 {strides = array<i32>} : memref<40x128xf32, #tpu.memory_space<vmem>>, vector<1x16xf32>,
      %get3A_237 = arith.index_cast %add3A_166 : i32 to index
      %get3A_238 = arith.constant 96 : index
      %get3A_239 = tpu.vector_load %arg10[%get3A_237, %get3A_238] {strides = array<i32>} : memref<40x128xf32, #tpu.memory_space<vmem>>, vector<1x16xf32>,
      %get3A_240 = vector.shape_cast %get3A_239 : vector<1x16xf32> to vector<16xf32>
      %add3A_241 = arith.constant 5.120000e+02 : f32
      %add3A_242 = vector.broadcast %add3A_241 : f32 to vector<16xf32>
      %add3A_243 = arith.addf %get3A_240, %add3A_242 : vector<16xf32>
      %swap3A_244 = arith.index_cast %add3A_166 : i32 to index
      %swap3A_245 = arith.constant 96 : index
      %swap3A_246 = tpu.vector_load %arg10[%swap3A_244, %swap3A_245] {strides = array<i32>} : memref<40x128xf32, #tpu.memory_space<vmem>>, vector<1x16xf32>,
      %swap3A_247 = vector.shape_cast %swap3A_246 : vector<1x16xf32> to vector<16xf32>
      %swap3A_248 = vector.shape_cast %add3A_243 : vector<16xf32> to vector<1x16xf32>
      tpu.vector_store %arg10[%swap3A_244, %swap3A_245], %swap3A_248 {strides = array<i32>} : memref<40x128xf32, #tpu.memory_space<vmem>>, vector<1x16xf32>,
      %get3A_249 = arith.index_cast %add3A_166 : i32 to index
      %get3A_250 = arith.constant 112 : index
      %get3A_251 = tpu.vector_load %arg10[%get3A_249, %get3A_250] {strides = array<i32>} : memref<40x128xf32, #tpu.memory_space<vmem>>, vector<1x16xf32>,
      %get3A_252 = vector.shape_cast %get3A_251 : vector<1x16xf32> to vector<16xf32>
      %add3A_253 = arith.constant 5.120000e+02 : f32
      %add3A_254 = vector.broadcast %add3A_253 : f32 to vector<16xf32>
      %add3A_255 = arith.addf %get3A_252, %add3A_254 : vector<16xf32>
      %swap3A_256 = arith.index_cast %add3A_166 : i32 to index
      %swap3A_257 = arith.constant 112 : index
      %swap3A_258 = tpu.vector_load %arg10[%swap3A_256, %swap3A_257] {strides = array<i32>} : memref<40x128xf32, #tpu.memory_space<vmem>>, vector<1x16xf32>,
      %swap3A_259 = vector.shape_cast %swap3A_258 : vector<1x16xf32> to vector<16xf32>
      %swap3A_260 = vector.shape_cast %add3A_255 : vector<16xf32> to vector<1x16xf32>
      tpu.vector_store %arg10[%swap3A_256, %swap3A_257], %swap3A_260 {strides = array<i32>} : memref<40x128xf32, #tpu.memory_space<vmem>>, vector<1x16xf32>,
    }
    %scan3A_110 = arith.constant 40 : i32
    %scan3A_111 = arith.constant 0 : i32
    %scan3A_112 = arith.constant 4 : i32
    %scan3A_113 = arith.addi %scan3A_111, %scan3A_112 : i32
    %scan3A_114 = arith.constant 1 : i32
    scf.for %scan3A_162 = %scan3A_111 to %scan3A_113 step %scan3A_114  : i32 {
      %mul3A_163 = arith.constant 1 : i32
      %mul3A_164 = arith.muli %scan3A_162, %mul3A_163 : i32
      %add3A_165 = arith.constant 0 : i32
      %add3A_166 = arith.addi %add3A_165, %mul3A_164 : i32
      %mul3A_167 = arith.constant 32896 : i32
      %mul3A_168 = arith.muli %arg1, %mul3A_167 : i32
      %mul3A_169 = arith.constant 8224 : i32
      %mul3A_170 = arith.muli %add3A_166, %mul3A_169 : i32
      %add3A_171 = arith.addi %mul3A_168, %mul3A_170 : i32
      %dma_wait3A_172 = tpu.memref_slice %arg12[%add3A_171] : memref<526336xf32, #tpu.memory_space<vmem_shared>> -> memref<8224xf32, #tpu.memory_space<vmem_shared>>
      %dma_wait3A_173 = tpu.memref_slice %arg12[%add3A_171] : memref<526336xf32, #tpu.memory_space<vmem_shared>> -> memref<8224xf32, #tpu.memory_space<vmem_shared>>
      tpu.wait_dma2 semaphore(%arg14 : memref<!tpu.dma_semaphore, #tpu.memory_space<semaphore_mem>>) src(%arg11 : memref<8224xf32, #tpu.memory_space<vmem>>) dst(%dma_wait3A_173 : memref<8224xf32, #tpu.memory_space<vmem_shared>>)
    }
    %scan3A_115 = arith.constant 4 : i32
    %barrier3A = arith.constant 0 : index
    tpu.barrier barrier_id(%barrier3A)
    %sub3A_116 = arith.constant 0 : i32
    %sub3A_117 = arith.subi %add3A_1, %sub3A_116 : i32
    %sub3A_118 = arith.constant 1 : i32
    %sub3A_119 = arith.constant 1 : i32
    %sub3A_120 = arith.subi %sub3A_118, %sub3A_119 : i32
    %add3A_121 = arith.addi %sub3A_117, %sub3A_120 : i32
    %div3A_122 = arith.constant 1 : i32
    %div3A_123 = arith.divsi %add3A_121, %div3A_122 : i32
    %while3A_124 = arith.constant 1 : i32
    %while3A_125 = arith.constant 0 : i32
    %while3A_126 = arith.constant 0 : i32
    %while3A_127 = arith.subi %div3A_123, %while3A_126 : i32
    %while3A_128 = arith.addi %while3A_126, %while3A_127 : i32
    %while3A_129 = arith.constant 1 : i32
    %while3A_130 = arith.divsi %while3A_127, %while3A_129 : i32
    %while3A_131 = arith.muli %while3A_130, %while3A_129 : i32
    %while3A_132 = arith.addi %while3A_126, %while3A_131 : i32
    %while3A_133 = arith.constant 1 : i32
    scf.for %while3A_162 = %while3A_126 to %while3A_132 step %while3A_133  : i32 {
      %mul3A_163 = arith.muli %while3A_162, %while3A_124 : i32
      %add3A_164 = arith.addi %while3A_125, %mul3A_163 : i32
      %dma_start3A_165 = arith.constant 0 : i32
      %dma_start3A_166 = tpu.memref_slice %arg10[%add3A_164, %dma_start3A_165] : memref<40x128xf32, #tpu.memory_space<vmem>> -> memref<1x128xf32, #tpu.memory_space<vmem>>
      %dma_start3A_167 = tpu.memref_squeeze %dma_start3A_166 : memref<1x128xf32, #tpu.memory_space<vmem>> -> memref<128xf32, #tpu.memory_space<vmem>>
      %dma_start3A_168 = arith.constant 0 : i32
      %dma_start3A_169 = tpu.memref_slice %arg8[%add3A_164, %dma_start3A_168] : memref<40x128xi32, #tpu.memory_space<vmem>> -> memref<1x128xi32, #tpu.memory_space<vmem>>
      %dma_start3A_170 = tpu.memref_squeeze %dma_start3A_169 : memref<1x128xi32, #tpu.memory_space<vmem>> -> memref<128xi32, #tpu.memory_space<vmem>>
      %dma_start3A_171 = arith.constant 0 : i32
      %dma_start3A_172 = tpu.memref_slice %arg12[%dma_start3A_171] : memref<526336xf32, #tpu.memory_space<vmem_shared>> -> memref<526336xf32, #tpu.memory_space<vmem_shared>>
      tpu.enqueue_indirect_dma source(%dma_start3A_167 : memref<128xf32, #tpu.memory_space<vmem>>) target(%dma_start3A_172 : memref<526336xf32, #tpu.memory_space<vmem_shared>>) offsets(%dma_start3A_170 : memref<128xi32, #tpu.memory_space<vmem>>) semaphore(%arg14 : memref<!tpu.dma_semaphore, #tpu.memory_space<semaphore_mem>>) {add = true}
    }
    %while3A_134 = arith.constant 1 : i32
    scf.for %while3A_162 = %while3A_132 to %while3A_128 step %while3A_134  : i32 {
      %mul3A_163 = arith.muli %while3A_162, %while3A_124 : i32
      %add3A_164 = arith.addi %while3A_125, %mul3A_163 : i32
      %dma_start3A_165 = arith.constant 0 : i32
      %dma_start3A_166 = tpu.memref_slice %arg10[%add3A_164, %dma_start3A_165] : memref<40x128xf32, #tpu.memory_space<vmem>> -> memref<1x128xf32, #tpu.memory_space<vmem>>
      %dma_start3A_167 = tpu.memref_squeeze %dma_start3A_166 : memref<1x128xf32, #tpu.memory_space<vmem>> -> memref<128xf32, #tpu.memory_space<vmem>>
      %dma_start3A_168 = arith.constant 0 : i32
      %dma_start3A_169 = tpu.memref_slice %arg8[%add3A_164, %dma_start3A_168] : memref<40x128xi32, #tpu.memory_space<vmem>> -> memref<1x128xi32, #tpu.memory_space<vmem>>
      %dma_start3A_170 = tpu.memref_squeeze %dma_start3A_169 : memref<1x128xi32, #tpu.memory_space<vmem>> -> memref<128xi32, #tpu.memory_space<vmem>>
      %dma_start3A_171 = arith.constant 0 : i32
      %dma_start3A_172 = tpu.memref_slice %arg12[%dma_start3A_171] : memref<526336xf32, #tpu.memory_space<vmem_shared>> -> memref<526336xf32, #tpu.memory_space<vmem_shared>>
      tpu.enqueue_indirect_dma source(%dma_start3A_167 : memref<128xf32, #tpu.memory_space<vmem>>) target(%dma_start3A_172 : memref<526336xf32, #tpu.memory_space<vmem_shared>>) offsets(%dma_start3A_170 : memref<128xi32, #tpu.memory_space<vmem>>) semaphore(%arg14 : memref<!tpu.dma_semaphore, #tpu.memory_space<semaphore_mem>>) {add = true}
    }
    %sub3A_135 = arith.constant 0 : i32
    %sub3A_136 = arith.subi %add3A_1, %sub3A_135 : i32
    %sub3A_137 = arith.constant 1 : i32
    %sub3A_138 = arith.constant 1 : i32
    %sub3A_139 = arith.subi %sub3A_137, %sub3A_138 : i32
    %add3A_140 = arith.addi %sub3A_136, %sub3A_139 : i32
    %div3A_141 = arith.constant 1 : i32
    %div3A_142 = arith.divsi %add3A_140, %div3A_141 : i32
    %while3A_143 = arith.constant 1 : i32
    %while3A_144 = arith.constant 0 : i32
    %while3A_145 = arith.constant 0 : i32
    %while3A_146 = arith.subi %div3A_142, %while3A_145 : i32
    %while3A_147 = arith.addi %while3A_145, %while3A_146 : i32
    %while3A_148 = arith.constant 1 : i32
    %while3A_149 = arith.divsi %while3A_146, %while3A_148 : i32
    %while3A_150 = arith.muli %while3A_149, %while3A_148 : i32
    %while3A_151 = arith.addi %while3A_145, %while3A_150 : i32
    %while3A_152 = arith.constant 1 : i32
    scf.for %while3A_162 = %while3A_145 to %while3A_151 step %while3A_152  : i32 {
      %mul3A_163 = arith.muli %while3A_162, %while3A_143 : i32
      %add3A_164 = arith.addi %while3A_144, %mul3A_163 : i32
      %dma_wait3A_165 = arith.constant 0 : i32
      %dma_wait3A_166 = tpu.memref_slice %arg10[%add3A_164, %dma_wait3A_165] : memref<40x128xf32, #tpu.memory_space<vmem>> -> memref<1x128xf32, #tpu.memory_space<vmem>>
      %dma_wait3A_167 = tpu.memref_squeeze %dma_wait3A_166 : memref<1x128xf32, #tpu.memory_space<vmem>> -> memref<128xf32, #tpu.memory_space<vmem>>
      %dma_wait3A_168 = arith.constant 0 : i32
      %dma_wait3A_169 = tpu.memref_slice %arg8[%add3A_164, %dma_wait3A_168] : memref<40x128xi32, #tpu.memory_space<vmem>> -> memref<1x128xi32, #tpu.memory_space<vmem>>
      %dma_wait3A_170 = tpu.memref_squeeze %dma_wait3A_169 : memref<1x128xi32, #tpu.memory_space<vmem>> -> memref<128xi32, #tpu.memory_space<vmem>>
      %dma_wait3A_171 = arith.constant 0 : i32
      %dma_wait3A_172 = tpu.memref_slice %arg12[%dma_wait3A_171] : memref<526336xf32, #tpu.memory_space<vmem_shared>> -> memref<526336xf32, #tpu.memory_space<vmem_shared>>
      tpu.wait_indirect_dma semaphore(%arg14 : memref<!tpu.dma_semaphore, #tpu.memory_space<semaphore_mem>>) src(%dma_wait3A_167 : memref<128xf32, #tpu.memory_space<vmem>>) dst(%dma_wait3A_172 : memref<526336xf32, #tpu.memory_space<vmem_shared>>)
    }
    %while3A_153 = arith.constant 1 : i32
    scf.for %while3A_162 = %while3A_151 to %while3A_147 step %while3A_153  : i32 {
      %mul3A_163 = arith.muli %while3A_162, %while3A_143 : i32
      %add3A_164 = arith.addi %while3A_144, %mul3A_163 : i32
      %dma_wait3A_165 = arith.constant 0 : i32
      %dma_wait3A_166 = tpu.memref_slice %arg10[%add3A_164, %dma_wait3A_165] : memref<40x128xf32, #tpu.memory_space<vmem>> -> memref<1x128xf32, #tpu.memory_space<vmem>>
      %dma_wait3A_167 = tpu.memref_squeeze %dma_wait3A_166 : memref<1x128xf32, #tpu.memory_space<vmem>> -> memref<128xf32, #tpu.memory_space<vmem>>
      %dma_wait3A_168 = arith.constant 0 : i32
      %dma_wait3A_169 = tpu.memref_slice %arg8[%add3A_164, %dma_wait3A_168] : memref<40x128xi32, #tpu.memory_space<vmem>> -> memref<1x128xi32, #tpu.memory_space<vmem>>
      %dma_wait3A_170 = tpu.memref_squeeze %dma_wait3A_169 : memref<1x128xi32, #tpu.memory_space<vmem>> -> memref<128xi32, #tpu.memory_space<vmem>>
      %dma_wait3A_171 = arith.constant 0 : i32
      %dma_wait3A_172 = tpu.memref_slice %arg12[%dma_wait3A_171] : memref<526336xf32, #tpu.memory_space<vmem_shared>> -> memref<526336xf32, #tpu.memory_space<vmem_shared>>
      tpu.wait_indirect_dma semaphore(%arg14 : memref<!tpu.dma_semaphore, #tpu.memory_space<semaphore_mem>>) src(%dma_wait3A_167 : memref<128xf32, #tpu.memory_space<vmem>>) dst(%dma_wait3A_172 : memref<526336xf32, #tpu.memory_space<vmem_shared>>)
    }
    %barrier3A_154 = arith.constant 0 : index
    tpu.barrier barrier_id(%barrier3A_154)
    %mul3A_155 = arith.constant 32768 : i32
    %mul3A_156 = arith.muli %arg1, %mul3A_155 : i32
    %mul3A_157 = arith.constant 524288 : i32
    %mul3A_158 = arith.muli %arg0, %mul3A_157 : i32
    %mul3A_159 = arith.constant 32768 : i32
    %mul3A_160 = arith.muli %arg1, %mul3A_159 : i32
    %add3A_161 = arith.addi %mul3A_158, %mul3A_160 : i32
    "tpu.region"() ({
      %run_scoped3A = tpu.sem_alloc : memref<!tpu.dma_semaphore, #tpu.memory_space<semaphore_mem>>
      %dma_start3A_162 = tpu.memref_slice %arg5[%add3A_161] : memref<1048576xf32, #tpu.memory_space<hbm>> -> memref<32768xf32, #tpu.memory_space<hbm>>
      %dma_start3A_163 = tpu.memref_slice %arg12[%mul3A_156] : memref<526336xf32, #tpu.memory_space<vmem_shared>> -> memref<32768xf32, #tpu.memory_space<vmem_shared>>
      tpu.enqueue_dma source(%dma_start3A_163 : memref<32768xf32, #tpu.memory_space<vmem_shared>>) target(%dma_start3A_162 : memref<32768xf32, #tpu.memory_space<hbm>>) target_semaphore(%run_scoped3A : memref<!tpu.dma_semaphore, #tpu.memory_space<semaphore_mem>>)
      %dma_wait3A_164 = tpu.memref_slice %arg5[%add3A_161] : memref<1048576xf32, #tpu.memory_space<hbm>> -> memref<32768xf32, #tpu.memory_space<hbm>>
      %dma_wait3A_165 = tpu.memref_slice %arg12[%mul3A_156] : memref<526336xf32, #tpu.memory_space<vmem_shared>> -> memref<32768xf32, #tpu.memory_space<vmem_shared>>
      tpu.wait_dma2 semaphore(%run_scoped3A : memref<!tpu.dma_semaphore, #tpu.memory_space<semaphore_mem>>) src(%dma_wait3A_165 : memref<32768xf32, #tpu.memory_space<vmem_shared>>) dst(%dma_wait3A_164 : memref<32768xf32, #tpu.memory_space<hbm>>)
      tpu.yield
    }) : () -> ()
    return
  }
}

module attributes {stable_mosaic.version = 14 : i64} {
  func.func @_tc_body(%arg0: memref<1024x128xf32, #tpu.memory_space<vmem>>, %arg1: memref<8192x128xf32, #tpu.memory_space<vmem>>, %arg2: memref<128x128xf32, #tpu.memory_space<vmem>>, %arg3: memref<1x128xf32, #tpu.memory_space<vmem>>, %arg4: memref<128x128xf32, #tpu.memory_space<vmem>>, %arg5: memref<1x128xf32, #tpu.memory_space<vmem>>, %arg6: memref<128x128xf32, #tpu.memory_space<vmem>>, %arg7: memref<1000x128xf32, #tpu.memory_space<vmem>>) attributes {dimension_semantics = [], scalar_prefetch = 0 : i64, scratch_operands = 0 : i64, tpu.core_type = #tpu.core_type<tc>} {
    %get3A = arith.constant 0 : index
    %get3A_0 = arith.constant 0 : index
    %get3A_1 = vector.load %arg0[%get3A, %get3A_0] : memref<1024x128xf32, #tpu.memory_space<vmem>>, vector<1024x128xf32>
    %get3A_2 = arith.constant 0 : index
    %get3A_3 = arith.constant 0 : index
    %get3A_4 = vector.load %arg2[%get3A_2, %get3A_3] : memref<128x128xf32, #tpu.memory_space<vmem>>, vector<128x128xf32>
    %dot_general3A = arith.constant dense<0.000000e+00> : vector<1024x128xf32>
    %dot_general3A_5 = tpu.matmul %get3A_1, %get3A_4, %dot_general3A {dimension_numbers = #tpu.dot_dimension_numbers<[1], [0], [0], [1], [0, 0, 1, 1], [], []>, transpose_lhs_hint = false} : vector<1024x128xf32>, vector<128x128xf32>, vector<1024x128xf32> -> vector<1024x128xf32>
    %get3A_6 = arith.constant 0 : index
    %get3A_7 = arith.constant 0 : index
    %get3A_8 = vector.load %arg1[%get3A_6, %get3A_7] : memref<8192x128xf32, #tpu.memory_space<vmem>>, vector<8192x128xf32>
    %mul3A = arith.constant 0.001953125 : f32
    %mul3A_9 = vector.broadcast %mul3A : f32 to vector<8192x128xf32>
    %mul3A_10 = arith.mulf %get3A_8, %mul3A_9 : vector<8192x128xf32>
    %add3A = arith.constant 5.000000e-01 : f32
    %add3A_11 = vector.broadcast %add3A : f32 to vector<8192x128xf32>
    %add3A_12 = arith.addf %mul3A_10, %add3A_11 : vector<8192x128xf32>
    %floor3A = math.floor %add3A_12 : vector<8192x128xf32>
    %mul3A_13 = arith.constant 5.120000e+02 : f32
    %mul3A_14 = vector.broadcast %mul3A_13 : f32 to vector<8192x128xf32>
    %mul3A_15 = arith.mulf %mul3A_14, %floor3A : vector<8192x128xf32>
    %sub3A = arith.subf %get3A_8, %mul3A_15 : vector<8192x128xf32>
    %slice3A = vector.extract_strided_slice %sub3A {offsets = [0, 0], sizes = [1024, 128], strides = [1, 1]} : vector<8192x128xf32> to vector<1024x128xf32>
    %reduce_sum3A = arith.constant dense<0.000000e+00> : vector<1024xf32>
    %reduce_sum3A_16 = vector.multi_reduction <add>, %slice3A, %reduce_sum3A [1] : vector<1024x128xf32> to vector<1024xf32>
    %broadcast_in_dim3A = vector.shape_cast %reduce_sum3A_16 : vector<1024xf32> to vector<1024x1xf32>
    %add3A_17 = arith.constant 1.000000e+00 : f32
    %add3A_18 = vector.broadcast %add3A_17 : f32 to vector<1024x1xf32>
    %add3A_19 = arith.addf %add3A_18, %broadcast_in_dim3A : vector<1024x1xf32>
    %slice3A_20 = vector.extract_strided_slice %sub3A {offsets = [1024, 0], sizes = [1024, 128], strides = [1, 1]} : vector<8192x128xf32> to vector<1024x128xf32>
    %reduce_sum3A_21 = arith.constant dense<0.000000e+00> : vector<1024xf32>
    %reduce_sum3A_22 = vector.multi_reduction <add>, %slice3A_20, %reduce_sum3A_21 [1] : vector<1024x128xf32> to vector<1024xf32>
    %broadcast_in_dim3A_23 = vector.shape_cast %reduce_sum3A_22 : vector<1024xf32> to vector<1024x1xf32>
    %add3A_24 = arith.addf %add3A_19, %broadcast_in_dim3A_23 : vector<1024x1xf32>
    %slice3A_25 = vector.extract_strided_slice %sub3A {offsets = [2048, 0], sizes = [1024, 128], strides = [1, 1]} : vector<8192x128xf32> to vector<1024x128xf32>
    %reduce_sum3A_26 = arith.constant dense<0.000000e+00> : vector<1024xf32>
    %reduce_sum3A_27 = vector.multi_reduction <add>, %slice3A_25, %reduce_sum3A_26 [1] : vector<1024x128xf32> to vector<1024xf32>
    %broadcast_in_dim3A_28 = vector.shape_cast %reduce_sum3A_27 : vector<1024xf32> to vector<1024x1xf32>
    %add3A_29 = arith.addf %add3A_24, %broadcast_in_dim3A_28 : vector<1024x1xf32>
    %slice3A_30 = vector.extract_strided_slice %sub3A {offsets = [3072, 0], sizes = [1024, 128], strides = [1, 1]} : vector<8192x128xf32> to vector<1024x128xf32>
    %reduce_sum3A_31 = arith.constant dense<0.000000e+00> : vector<1024xf32>
    %reduce_sum3A_32 = vector.multi_reduction <add>, %slice3A_30, %reduce_sum3A_31 [1] : vector<1024x128xf32> to vector<1024xf32>
    %broadcast_in_dim3A_33 = vector.shape_cast %reduce_sum3A_32 : vector<1024xf32> to vector<1024x1xf32>
    %add3A_34 = arith.addf %add3A_29, %broadcast_in_dim3A_33 : vector<1024x1xf32>
    %slice3A_35 = vector.extract_strided_slice %sub3A {offsets = [4096, 0], sizes = [1024, 128], strides = [1, 1]} : vector<8192x128xf32> to vector<1024x128xf32>
    %reduce_sum3A_36 = arith.constant dense<0.000000e+00> : vector<1024xf32>
    %reduce_sum3A_37 = vector.multi_reduction <add>, %slice3A_35, %reduce_sum3A_36 [1] : vector<1024x128xf32> to vector<1024xf32>
    %broadcast_in_dim3A_38 = vector.shape_cast %reduce_sum3A_37 : vector<1024xf32> to vector<1024x1xf32>
    %add3A_39 = arith.addf %add3A_34, %broadcast_in_dim3A_38 : vector<1024x1xf32>
    %slice3A_40 = vector.extract_strided_slice %sub3A {offsets = [5120, 0], sizes = [1024, 128], strides = [1, 1]} : vector<8192x128xf32> to vector<1024x128xf32>
    %reduce_sum3A_41 = arith.constant dense<0.000000e+00> : vector<1024xf32>
    %reduce_sum3A_42 = vector.multi_reduction <add>, %slice3A_40, %reduce_sum3A_41 [1] : vector<1024x128xf32> to vector<1024xf32>
    %broadcast_in_dim3A_43 = vector.shape_cast %reduce_sum3A_42 : vector<1024xf32> to vector<1024x1xf32>
    %add3A_44 = arith.addf %add3A_39, %broadcast_in_dim3A_43 : vector<1024x1xf32>
    %slice3A_45 = vector.extract_strided_slice %sub3A {offsets = [6144, 0], sizes = [1024, 128], strides = [1, 1]} : vector<8192x128xf32> to vector<1024x128xf32>
    %reduce_sum3A_46 = arith.constant dense<0.000000e+00> : vector<1024xf32>
    %reduce_sum3A_47 = vector.multi_reduction <add>, %slice3A_45, %reduce_sum3A_46 [1] : vector<1024x128xf32> to vector<1024xf32>
    %broadcast_in_dim3A_48 = vector.shape_cast %reduce_sum3A_47 : vector<1024xf32> to vector<1024x1xf32>
    %add3A_49 = arith.addf %add3A_44, %broadcast_in_dim3A_48 : vector<1024x1xf32>
    %slice3A_50 = vector.extract_strided_slice %sub3A {offsets = [7168, 0], sizes = [1024, 128], strides = [1, 1]} : vector<8192x128xf32> to vector<1024x128xf32>
    %reduce_sum3A_51 = arith.constant dense<0.000000e+00> : vector<1024xf32>
    %reduce_sum3A_52 = vector.multi_reduction <add>, %slice3A_50, %reduce_sum3A_51 [1] : vector<1024x128xf32> to vector<1024xf32>
    %broadcast_in_dim3A_53 = vector.shape_cast %reduce_sum3A_52 : vector<1024xf32> to vector<1024x1xf32>
    %add3A_54 = arith.addf %add3A_49, %broadcast_in_dim3A_53 : vector<1024x1xf32>
    %rsqrt3A = math.rsqrt %add3A_54 : vector<1024x1xf32>
    %mul3A_55 = vector.broadcast %rsqrt3A : vector<1024x1xf32> to vector<1024x128xf32>
    %mul3A_56 = arith.mulf %mul3A_55, %dot_general3A_5 : vector<1024x128xf32>
    %slice3A_57 = vector.extract_strided_slice %sub3A {offsets = [0, 0], sizes = [1024, 128], strides = [1, 1]} : vector<8192x128xf32> to vector<1024x128xf32>
    %slice3A_58 = vector.extract_strided_slice %mul3A_56 {offsets = [0, 0], sizes = [128, 128], strides = [1, 1]} : vector<1024x128xf32> to vector<128x128xf32>
    %dot_general3A_59 = arith.constant dense<0.000000e+00> : vector<1024x128xf32>
    %dot_general3A_60 = tpu.matmul %slice3A_57, %slice3A_58, %dot_general3A_59 {dimension_numbers = #tpu.dot_dimension_numbers<[1], [0], [0], [1], [0, 0, 1, 1], [], []>, transpose_lhs_hint = false} : vector<1024x128xf32>, vector<128x128xf32>, vector<1024x128xf32> -> vector<1024x128xf32>
    %add3A_61 = arith.addf %mul3A_56, %dot_general3A_60 : vector<1024x128xf32>
    %slice3A_62 = vector.extract_strided_slice %sub3A {offsets = [1024, 0], sizes = [1024, 128], strides = [1, 1]} : vector<8192x128xf32> to vector<1024x128xf32>
    %slice3A_63 = vector.extract_strided_slice %mul3A_56 {offsets = [128, 0], sizes = [128, 128], strides = [1, 1]} : vector<1024x128xf32> to vector<128x128xf32>
    %dot_general3A_64 = arith.constant dense<0.000000e+00> : vector<1024x128xf32>
    %dot_general3A_65 = tpu.matmul %slice3A_62, %slice3A_63, %dot_general3A_64 {dimension_numbers = #tpu.dot_dimension_numbers<[1], [0], [0], [1], [0, 0, 1, 1], [], []>, transpose_lhs_hint = false} : vector<1024x128xf32>, vector<128x128xf32>, vector<1024x128xf32> -> vector<1024x128xf32>
    %add3A_66 = arith.addf %add3A_61, %dot_general3A_65 : vector<1024x128xf32>
    %slice3A_67 = vector.extract_strided_slice %sub3A {offsets = [2048, 0], sizes = [1024, 128], strides = [1, 1]} : vector<8192x128xf32> to vector<1024x128xf32>
    %slice3A_68 = vector.extract_strided_slice %mul3A_56 {offsets = [256, 0], sizes = [128, 128], strides = [1, 1]} : vector<1024x128xf32> to vector<128x128xf32>
    %dot_general3A_69 = arith.constant dense<0.000000e+00> : vector<1024x128xf32>
    %dot_general3A_70 = tpu.matmul %slice3A_67, %slice3A_68, %dot_general3A_69 {dimension_numbers = #tpu.dot_dimension_numbers<[1], [0], [0], [1], [0, 0, 1, 1], [], []>, transpose_lhs_hint = false} : vector<1024x128xf32>, vector<128x128xf32>, vector<1024x128xf32> -> vector<1024x128xf32>
    %add3A_71 = arith.addf %add3A_66, %dot_general3A_70 : vector<1024x128xf32>
    %slice3A_72 = vector.extract_strided_slice %sub3A {offsets = [3072, 0], sizes = [1024, 128], strides = [1, 1]} : vector<8192x128xf32> to vector<1024x128xf32>
    %slice3A_73 = vector.extract_strided_slice %mul3A_56 {offsets = [384, 0], sizes = [128, 128], strides = [1, 1]} : vector<1024x128xf32> to vector<128x128xf32>
    %dot_general3A_74 = arith.constant dense<0.000000e+00> : vector<1024x128xf32>
    %dot_general3A_75 = tpu.matmul %slice3A_72, %slice3A_73, %dot_general3A_74 {dimension_numbers = #tpu.dot_dimension_numbers<[1], [0], [0], [1], [0, 0, 1, 1], [], []>, transpose_lhs_hint = false} : vector<1024x128xf32>, vector<128x128xf32>, vector<1024x128xf32> -> vector<1024x128xf32>
    %add3A_76 = arith.addf %add3A_71, %dot_general3A_75 : vector<1024x128xf32>
    %slice3A_77 = vector.extract_strided_slice %sub3A {offsets = [4096, 0], sizes = [1024, 128], strides = [1, 1]} : vector<8192x128xf32> to vector<1024x128xf32>
    %slice3A_78 = vector.extract_strided_slice %mul3A_56 {offsets = [512, 0], sizes = [128, 128], strides = [1, 1]} : vector<1024x128xf32> to vector<128x128xf32>
    %dot_general3A_79 = arith.constant dense<0.000000e+00> : vector<1024x128xf32>
    %dot_general3A_80 = tpu.matmul %slice3A_77, %slice3A_78, %dot_general3A_79 {dimension_numbers = #tpu.dot_dimension_numbers<[1], [0], [0], [1], [0, 0, 1, 1], [], []>, transpose_lhs_hint = false} : vector<1024x128xf32>, vector<128x128xf32>, vector<1024x128xf32> -> vector<1024x128xf32>
    %add3A_81 = arith.addf %add3A_76, %dot_general3A_80 : vector<1024x128xf32>
    %slice3A_82 = vector.extract_strided_slice %sub3A {offsets = [5120, 0], sizes = [1024, 128], strides = [1, 1]} : vector<8192x128xf32> to vector<1024x128xf32>
    %slice3A_83 = vector.extract_strided_slice %mul3A_56 {offsets = [640, 0], sizes = [128, 128], strides = [1, 1]} : vector<1024x128xf32> to vector<128x128xf32>
    %dot_general3A_84 = arith.constant dense<0.000000e+00> : vector<1024x128xf32>
    %dot_general3A_85 = tpu.matmul %slice3A_82, %slice3A_83, %dot_general3A_84 {dimension_numbers = #tpu.dot_dimension_numbers<[1], [0], [0], [1], [0, 0, 1, 1], [], []>, transpose_lhs_hint = false} : vector<1024x128xf32>, vector<128x128xf32>, vector<1024x128xf32> -> vector<1024x128xf32>
    %add3A_86 = arith.addf %add3A_81, %dot_general3A_85 : vector<1024x128xf32>
    %slice3A_87 = vector.extract_strided_slice %sub3A {offsets = [6144, 0], sizes = [1024, 128], strides = [1, 1]} : vector<8192x128xf32> to vector<1024x128xf32>
    %slice3A_88 = vector.extract_strided_slice %mul3A_56 {offsets = [768, 0], sizes = [128, 128], strides = [1, 1]} : vector<1024x128xf32> to vector<128x128xf32>
    %dot_general3A_89 = arith.constant dense<0.000000e+00> : vector<1024x128xf32>
    %dot_general3A_90 = tpu.matmul %slice3A_87, %slice3A_88, %dot_general3A_89 {dimension_numbers = #tpu.dot_dimension_numbers<[1], [0], [0], [1], [0, 0, 1, 1], [], []>, transpose_lhs_hint = false} : vector<1024x128xf32>, vector<128x128xf32>, vector<1024x128xf32> -> vector<1024x128xf32>
    %add3A_91 = arith.addf %add3A_86, %dot_general3A_90 : vector<1024x128xf32>
    %slice3A_92 = vector.extract_strided_slice %sub3A {offsets = [7168, 0], sizes = [1024, 128], strides = [1, 1]} : vector<8192x128xf32> to vector<1024x128xf32>
    %slice3A_93 = vector.extract_strided_slice %mul3A_56 {offsets = [896, 0], sizes = [128, 128], strides = [1, 1]} : vector<1024x128xf32> to vector<128x128xf32>
    %dot_general3A_94 = arith.constant dense<0.000000e+00> : vector<1024x128xf32>
    %dot_general3A_95 = tpu.matmul %slice3A_92, %slice3A_93, %dot_general3A_94 {dimension_numbers = #tpu.dot_dimension_numbers<[1], [0], [0], [1], [0, 0, 1, 1], [], []>, transpose_lhs_hint = false} : vector<1024x128xf32>, vector<128x128xf32>, vector<1024x128xf32> -> vector<1024x128xf32>
    %add3A_96 = arith.addf %add3A_91, %dot_general3A_95 : vector<1024x128xf32>
    %mul3A_97 = vector.broadcast %rsqrt3A : vector<1024x1xf32> to vector<1024x128xf32>
    %mul3A_98 = arith.mulf %mul3A_97, %add3A_96 : vector<1024x128xf32>
    %get3A_99 = arith.constant 0 : index
    %get3A_100 = arith.constant 0 : index
    %get3A_101 = vector.load %arg3[%get3A_99, %get3A_100] : memref<1x128xf32, #tpu.memory_space<vmem>>, vector<1x128xf32>
    %add3A_102 = vector.broadcast %get3A_101 : vector<1x128xf32> to vector<1024x128xf32>
    %add3A_103 = arith.addf %mul3A_98, %add3A_102 : vector<1024x128xf32>
    %broadcast_in_dim3A_104 = arith.constant 0.000000e+00 : f32
    %broadcast_in_dim3A_105 = vector.broadcast %broadcast_in_dim3A_104 : f32 to vector<1024x1xf32>
    %broadcast_in_dim3A_106 = arith.constant 0.000000e+00 : f32
    %broadcast_in_dim3A_107 = vector.broadcast %broadcast_in_dim3A_106 : f32 to vector<1024x128xf32>
    %slice3A_108 = vector.extract_strided_slice %floor3A {offsets = [0, 0], sizes = [1024, 128], strides = [1, 1]} : vector<8192x128xf32> to vector<1024x128xf32>
    %reduce_sum3A_109 = arith.constant dense<0.000000e+00> : vector<1024xf32>
    %reduce_sum3A_110 = vector.multi_reduction <add>, %slice3A_108, %reduce_sum3A_109 [1] : vector<1024x128xf32> to vector<1024xf32>
    %broadcast_in_dim3A_111 = vector.shape_cast %reduce_sum3A_110 : vector<1024xf32> to vector<1024x1xf32>
    %add3A_112 = arith.addf %broadcast_in_dim3A_105, %broadcast_in_dim3A_111 : vector<1024x1xf32>
    %slice3A_113 = vector.extract_strided_slice %add3A_103 {offsets = [0, 0], sizes = [128, 128], strides = [1, 1]} : vector<1024x128xf32> to vector<128x128xf32>
    %dot_general3A_114 = arith.constant dense<0.000000e+00> : vector<1024x128xf32>
    %dot_general3A_115 = tpu.matmul %slice3A_108, %slice3A_113, %dot_general3A_114 {dimension_numbers = #tpu.dot_dimension_numbers<[1], [0], [0], [1], [0, 0, 1, 1], [], []>, transpose_lhs_hint = false} : vector<1024x128xf32>, vector<128x128xf32>, vector<1024x128xf32> -> vector<1024x128xf32>
    %add3A_116 = arith.addf %broadcast_in_dim3A_107, %dot_general3A_115 : vector<1024x128xf32>
    %slice3A_117 = vector.extract_strided_slice %floor3A {offsets = [1024, 0], sizes = [1024, 128], strides = [1, 1]} : vector<8192x128xf32> to vector<1024x128xf32>
    %reduce_sum3A_118 = arith.constant dense<0.000000e+00> : vector<1024xf32>
    %reduce_sum3A_119 = vector.multi_reduction <add>, %slice3A_117, %reduce_sum3A_118 [1] : vector<1024x128xf32> to vector<1024xf32>
    %broadcast_in_dim3A_120 = vector.shape_cast %reduce_sum3A_119 : vector<1024xf32> to vector<1024x1xf32>
    %add3A_121 = arith.addf %add3A_112, %broadcast_in_dim3A_120 : vector<1024x1xf32>
    %slice3A_122 = vector.extract_strided_slice %add3A_103 {offsets = [128, 0], sizes = [128, 128], strides = [1, 1]} : vector<1024x128xf32> to vector<128x128xf32>
    %dot_general3A_123 = arith.constant dense<0.000000e+00> : vector<1024x128xf32>
    %dot_general3A_124 = tpu.matmul %slice3A_117, %slice3A_122, %dot_general3A_123 {dimension_numbers = #tpu.dot_dimension_numbers<[1], [0], [0], [1], [0, 0, 1, 1], [], []>, transpose_lhs_hint = false} : vector<1024x128xf32>, vector<128x128xf32>, vector<1024x128xf32> -> vector<1024x128xf32>
    %add3A_125 = arith.addf %add3A_116, %dot_general3A_124 : vector<1024x128xf32>
    %slice3A_126 = vector.extract_strided_slice %floor3A {offsets = [2048, 0], sizes = [1024, 128], strides = [1, 1]} : vector<8192x128xf32> to vector<1024x128xf32>
    %reduce_sum3A_127 = arith.constant dense<0.000000e+00> : vector<1024xf32>
    %reduce_sum3A_128 = vector.multi_reduction <add>, %slice3A_126, %reduce_sum3A_127 [1] : vector<1024x128xf32> to vector<1024xf32>
    %broadcast_in_dim3A_129 = vector.shape_cast %reduce_sum3A_128 : vector<1024xf32> to vector<1024x1xf32>
    %add3A_130 = arith.addf %add3A_121, %broadcast_in_dim3A_129 : vector<1024x1xf32>
    %slice3A_131 = vector.extract_strided_slice %add3A_103 {offsets = [256, 0], sizes = [128, 128], strides = [1, 1]} : vector<1024x128xf32> to vector<128x128xf32>
    %dot_general3A_132 = arith.constant dense<0.000000e+00> : vector<1024x128xf32>
    %dot_general3A_133 = tpu.matmul %slice3A_126, %slice3A_131, %dot_general3A_132 {dimension_numbers = #tpu.dot_dimension_numbers<[1], [0], [0], [1], [0, 0, 1, 1], [], []>, transpose_lhs_hint = false} : vector<1024x128xf32>, vector<128x128xf32>, vector<1024x128xf32> -> vector<1024x128xf32>
    %add3A_134 = arith.addf %add3A_125, %dot_general3A_133 : vector<1024x128xf32>
    %slice3A_135 = vector.extract_strided_slice %floor3A {offsets = [3072, 0], sizes = [1024, 128], strides = [1, 1]} : vector<8192x128xf32> to vector<1024x128xf32>
    %reduce_sum3A_136 = arith.constant dense<0.000000e+00> : vector<1024xf32>
    %reduce_sum3A_137 = vector.multi_reduction <add>, %slice3A_135, %reduce_sum3A_136 [1] : vector<1024x128xf32> to vector<1024xf32>
    %broadcast_in_dim3A_138 = vector.shape_cast %reduce_sum3A_137 : vector<1024xf32> to vector<1024x1xf32>
    %add3A_139 = arith.addf %add3A_130, %broadcast_in_dim3A_138 : vector<1024x1xf32>
    %slice3A_140 = vector.extract_strided_slice %add3A_103 {offsets = [384, 0], sizes = [128, 128], strides = [1, 1]} : vector<1024x128xf32> to vector<128x128xf32>
    %dot_general3A_141 = arith.constant dense<0.000000e+00> : vector<1024x128xf32>
    %dot_general3A_142 = tpu.matmul %slice3A_135, %slice3A_140, %dot_general3A_141 {dimension_numbers = #tpu.dot_dimension_numbers<[1], [0], [0], [1], [0, 0, 1, 1], [], []>, transpose_lhs_hint = false} : vector<1024x128xf32>, vector<128x128xf32>, vector<1024x128xf32> -> vector<1024x128xf32>
    %add3A_143 = arith.addf %add3A_134, %dot_general3A_142 : vector<1024x128xf32>
    %slice3A_144 = vector.extract_strided_slice %floor3A {offsets = [4096, 0], sizes = [1024, 128], strides = [1, 1]} : vector<8192x128xf32> to vector<1024x128xf32>
    %reduce_sum3A_145 = arith.constant dense<0.000000e+00> : vector<1024xf32>
    %reduce_sum3A_146 = vector.multi_reduction <add>, %slice3A_144, %reduce_sum3A_145 [1] : vector<1024x128xf32> to vector<1024xf32>
    %broadcast_in_dim3A_147 = vector.shape_cast %reduce_sum3A_146 : vector<1024xf32> to vector<1024x1xf32>
    %add3A_148 = arith.addf %add3A_139, %broadcast_in_dim3A_147 : vector<1024x1xf32>
    %slice3A_149 = vector.extract_strided_slice %add3A_103 {offsets = [512, 0], sizes = [128, 128], strides = [1, 1]} : vector<1024x128xf32> to vector<128x128xf32>
    %dot_general3A_150 = arith.constant dense<0.000000e+00> : vector<1024x128xf32>
    %dot_general3A_151 = tpu.matmul %slice3A_144, %slice3A_149, %dot_general3A_150 {dimension_numbers = #tpu.dot_dimension_numbers<[1], [0], [0], [1], [0, 0, 1, 1], [], []>, transpose_lhs_hint = false} : vector<1024x128xf32>, vector<128x128xf32>, vector<1024x128xf32> -> vector<1024x128xf32>
    %add3A_152 = arith.addf %add3A_143, %dot_general3A_151 : vector<1024x128xf32>
    %slice3A_153 = vector.extract_strided_slice %floor3A {offsets = [5120, 0], sizes = [1024, 128], strides = [1, 1]} : vector<8192x128xf32> to vector<1024x128xf32>
    %reduce_sum3A_154 = arith.constant dense<0.000000e+00> : vector<1024xf32>
    %reduce_sum3A_155 = vector.multi_reduction <add>, %slice3A_153, %reduce_sum3A_154 [1] : vector<1024x128xf32> to vector<1024xf32>
    %broadcast_in_dim3A_156 = vector.shape_cast %reduce_sum3A_155 : vector<1024xf32> to vector<1024x1xf32>
    %add3A_157 = arith.addf %add3A_148, %broadcast_in_dim3A_156 : vector<1024x1xf32>
    %slice3A_158 = vector.extract_strided_slice %add3A_103 {offsets = [640, 0], sizes = [128, 128], strides = [1, 1]} : vector<1024x128xf32> to vector<128x128xf32>
    %dot_general3A_159 = arith.constant dense<0.000000e+00> : vector<1024x128xf32>
    %dot_general3A_160 = tpu.matmul %slice3A_153, %slice3A_158, %dot_general3A_159 {dimension_numbers = #tpu.dot_dimension_numbers<[1], [0], [0], [1], [0, 0, 1, 1], [], []>, transpose_lhs_hint = false} : vector<1024x128xf32>, vector<128x128xf32>, vector<1024x128xf32> -> vector<1024x128xf32>
    %add3A_161 = arith.addf %add3A_152, %dot_general3A_160 : vector<1024x128xf32>
    %slice3A_162 = vector.extract_strided_slice %floor3A {offsets = [6144, 0], sizes = [1024, 128], strides = [1, 1]} : vector<8192x128xf32> to vector<1024x128xf32>
    %reduce_sum3A_163 = arith.constant dense<0.000000e+00> : vector<1024xf32>
    %reduce_sum3A_164 = vector.multi_reduction <add>, %slice3A_162, %reduce_sum3A_163 [1] : vector<1024x128xf32> to vector<1024xf32>
    %broadcast_in_dim3A_165 = vector.shape_cast %reduce_sum3A_164 : vector<1024xf32> to vector<1024x1xf32>
    %add3A_166 = arith.addf %add3A_157, %broadcast_in_dim3A_165 : vector<1024x1xf32>
    %slice3A_167 = vector.extract_strided_slice %add3A_103 {offsets = [768, 0], sizes = [128, 128], strides = [1, 1]} : vector<1024x128xf32> to vector<128x128xf32>
    %dot_general3A_168 = arith.constant dense<0.000000e+00> : vector<1024x128xf32>
    %dot_general3A_169 = tpu.matmul %slice3A_162, %slice3A_167, %dot_general3A_168 {dimension_numbers = #tpu.dot_dimension_numbers<[1], [0], [0], [1], [0, 0, 1, 1], [], []>, transpose_lhs_hint = false} : vector<1024x128xf32>, vector<128x128xf32>, vector<1024x128xf32> -> vector<1024x128xf32>
    %add3A_170 = arith.addf %add3A_161, %dot_general3A_169 : vector<1024x128xf32>
    %slice3A_171 = vector.extract_strided_slice %floor3A {offsets = [7168, 0], sizes = [1024, 128], strides = [1, 1]} : vector<8192x128xf32> to vector<1024x128xf32>
    %reduce_sum3A_172 = arith.constant dense<0.000000e+00> : vector<1024xf32>
    %reduce_sum3A_173 = vector.multi_reduction <add>, %slice3A_171, %reduce_sum3A_172 [1] : vector<1024x128xf32> to vector<1024xf32>
    %broadcast_in_dim3A_174 = vector.shape_cast %reduce_sum3A_173 : vector<1024xf32> to vector<1024x1xf32>
    %add3A_175 = arith.addf %add3A_166, %broadcast_in_dim3A_174 : vector<1024x1xf32>
    %slice3A_176 = vector.extract_strided_slice %add3A_103 {offsets = [896, 0], sizes = [128, 128], strides = [1, 1]} : vector<1024x128xf32> to vector<128x128xf32>
    %dot_general3A_177 = arith.constant dense<0.000000e+00> : vector<1024x128xf32>
    %dot_general3A_178 = tpu.matmul %slice3A_171, %slice3A_176, %dot_general3A_177 {dimension_numbers = #tpu.dot_dimension_numbers<[1], [0], [0], [1], [0, 0, 1, 1], [], []>, transpose_lhs_hint = false} : vector<1024x128xf32>, vector<128x128xf32>, vector<1024x128xf32> -> vector<1024x128xf32>
    %add3A_179 = arith.addf %add3A_170, %dot_general3A_178 : vector<1024x128xf32>
    %max3A = arith.constant 1.000000e+00 : f32
    %max3A_180 = vector.broadcast %max3A : f32 to vector<1024x1xf32>
    %max3A_181 = arith.maximumf %add3A_175, %max3A_180 : vector<1024x1xf32>
    %div3A = vector.broadcast %max3A_181 : vector<1024x1xf32> to vector<1024x128xf32>
    %div3A_182 = arith.divf %add3A_179, %div3A : vector<1024x128xf32>
    %get3A_183 = arith.constant 0 : index
    %get3A_184 = arith.constant 0 : index
    %get3A_185 = vector.load %arg4[%get3A_183, %get3A_184] : memref<128x128xf32, #tpu.memory_space<vmem>>, vector<128x128xf32>
    %dot_general3A_186 = arith.constant dense<0.000000e+00> : vector<1024x128xf32>
    %dot_general3A_187 = tpu.matmul %div3A_182, %get3A_185, %dot_general3A_186 {dimension_numbers = #tpu.dot_dimension_numbers<[1], [0], [0], [1], [0, 0, 1, 1], [], []>, transpose_lhs_hint = false} : vector<1024x128xf32>, vector<128x128xf32>, vector<1024x128xf32> -> vector<1024x128xf32>
    %get3A_188 = arith.constant 0 : index
    %get3A_189 = arith.constant 0 : index
    %get3A_190 = vector.load %arg5[%get3A_188, %get3A_189] : memref<1x128xf32, #tpu.memory_space<vmem>>, vector<1x128xf32>
    %add3A_191 = vector.broadcast %get3A_190 : vector<1x128xf32> to vector<1024x128xf32>
    %add3A_192 = arith.addf %dot_general3A_187, %add3A_191 : vector<1024x128xf32>
    %get3A_193 = arith.constant 0 : index
    %get3A_194 = arith.constant 0 : index
    %get3A_195 = vector.load %arg6[%get3A_193, %get3A_194] : memref<128x128xf32, #tpu.memory_space<vmem>>, vector<128x128xf32>
    %dot_general3A_196 = arith.constant dense<0.000000e+00> : vector<1024x128xf32>
    %dot_general3A_197 = tpu.matmul %add3A_103, %get3A_195, %dot_general3A_196 {dimension_numbers = #tpu.dot_dimension_numbers<[1], [0], [0], [1], [0, 0, 1, 1], [], []>, transpose_lhs_hint = false} : vector<1024x128xf32>, vector<128x128xf32>, vector<1024x128xf32> -> vector<1024x128xf32>
    %add3A_198 = arith.addf %add3A_192, %dot_general3A_197 : vector<1024x128xf32>
    %mul3A_199 = arith.mulf %add3A_198, %add3A_198 : vector<1024x128xf32>
    %reduce_sum3A_200 = arith.constant dense<0.000000e+00> : vector<1024xf32>
    %reduce_sum3A_201 = vector.multi_reduction <add>, %mul3A_199, %reduce_sum3A_200 [1] : vector<1024x128xf32> to vector<1024xf32>
    %broadcast_in_dim3A_202 = vector.shape_cast %reduce_sum3A_201 : vector<1024xf32> to vector<1024x1xf32>
    %sqrt3A = math.sqrt %broadcast_in_dim3A_202 : vector<1024x1xf32>
    %max3A_203 = arith.constant 9.99999996E-13 : f32
    %max3A_204 = vector.broadcast %max3A_203 : f32 to vector<1024x1xf32>
    %max3A_205 = arith.maximumf %sqrt3A, %max3A_204 : vector<1024x1xf32>
    %div3A_206 = vector.broadcast %max3A_205 : vector<1024x1xf32> to vector<1024x128xf32>
    %div3A_207 = arith.divf %add3A_198, %div3A_206 : vector<1024x128xf32>
    %slice3A_208 = vector.extract_strided_slice %div3A_207 {offsets = [0, 0], sizes = [1000, 128], strides = [1, 1]} : vector<1024x128xf32> to vector<1000x128xf32>
    %swap3A = arith.constant 0 : index
    %swap3A_209 = arith.constant 0 : index
    %swap3A_210 = vector.load %arg7[%swap3A, %swap3A_209] : memref<1000x128xf32, #tpu.memory_space<vmem>>, vector<1000x128xf32>
    tpu.vector_store %arg7[%swap3A, %swap3A_209], %slice3A_208 {strides = array<i32>} : memref<1000x128xf32, #tpu.memory_space<vmem>>, vector<1000x128xf32>,
    return
  }
}

</mosaic_0001>

<sc_bundles>
// kernel: kernel.4.cloned.1.call-start
scs
__scs_entry_jumppad:
0x0: {  	(pc) =	sbr.rel $0x88, $3  }
0x1: {  	(tag) =	ssettag $0x0;
	lr =	simm.s32 $0x1  }
0x2: {  	[smem:$0x3F98] =	sst lr;
	_ =	strace $0xD0000000  }
0x3: {  	_ = 	snop  }
0x4: {  	_ = 	snop  }
0x5: {  	_ = 	snop  }
0x6: {  	_ = 	snop  }
0x7: {  	_ = 	snop  }
__scs_overlays_trampoline_lowered:
0x8: {  	[smem:$0x3FA7] =	sst s0  }
0x9: {  	[smem:$0x3FA8] =	sst s1  }
0xa: {  	[smem:$0x3FA9] =	sst s2  }
0xb: {  	[smem:$0x3FAA] =	sst s3  }
0xc: {  	[smem:$0x3FAB] =	sst s4  }
0xd: {  	[smem:$0x3FAC] =	sst s5  }
0xe: {  	[smem:$0x3FAD] =	sst s6  }
0xf: {  	[smem:$0x3FAE] =	sst s7  }
0x10: {  	[smem:$0x3FAF] =	sst s8  }
0x11: {  	[smem:$0x3FB0] =	sst s9;
	s0 =	simm.s32 @!p0 $0x0  }
0x12: {  	s1 =	sld [smem:$0x3F96];
	s0 =	simm.s32 @p0 $0x1  }
0x13: {  	[smem:$0x3FB1] =	sst s0;
	s0 =	simm.s32 @!p1 $0x0  }
0x14: {  	s2 =	sld [smem:$0x3F95];
	s0 =	simm.s32 @p1 $0x1  }
0x15: {  	[smem:$0x3FB2] =	sst s0;
	s0 =	simm.s32 @!p2 $0x0  }
0x16: {  	s3 =	sld [smem:$0x3FDB];
	s0 =	simm.s32 @p2 $0x1  }
0x17: {  	s4 =	simm.s32 $0x1BF5;
	[smem:$0x3FB4] =	sst s0  }
0x18: {  	s0 =	sld [smem:$0x3F97];
	_ =	swait.ge [sflag:s4], $0x0  }
0x19: {  	s7 =	sld [smem:$0x3F98]  }
0x1a: {  	s8 =	sadd.s32 $0xFFFFE003, lr  }
0x1b: {  	s9 =	sadd.s32 $0xFFFFFEF7, lr;
	s5 =	simm.s32 $0xFFFFFFFF;
	p2 =	slt.u32 s8, $0xFFFFF086  }
0x1c: {  	p1 =	slt.u32 s9, $0xF7A;
	s5 =	simm.s32 @!p2 $0x0  }
0x1d: {  	s5 =	simm.s32 @p1 $0x1;
	p0 =	seq.s32 s7, s2  }
0x1e: {  	s7 =	smul.u32 @!p0 $0xF7A, s2;
	p2 =	seq.s32 @!p0 s5, $0x0  }
0x1f: {  	s9 =	smul.u32 $0xF7A, s1;
	s8 =	simm.s32 @!p0 $0x1BF5;
	p2 =	por !p2, p0  }
0x20: {  	[sflag:s8] =	ssyncset.s32 @!p0 $0xFFFFF086;
	s6 =	sadd.s32 @!p0 s3, s7;
	s7 =	simm.s32 @!p0 $0x108  }
0x21: {  	s3 =	sadd.s32 s3, s9;
	s6 =	sadd.s32 @!p0 $0x88, s6;
	s7 =	simm.s32 @p2 $0x1082  }
0x22: {  	[simem:s7], [sflag:s8] =	dma.local @!p0 [hbm:s6], $0xF7A  }
0x23: {  	s9 =	sor.u32 $0xD0000000, s2;
	s6 =	simm.s32 $0x108;
	_ =	swait.ge @!p0 [sflag:s8], $0x0  }
0x24: {  	s3 =	sadd.s32 $0x88, s3;
	s6 =	simm.s32 @!p1 $0x1082;
	[sflag:s4] =	ssyncset.s32 $0xFFFFF086  }
0x25: {  	[simem:s6], [sflag:s4] =	dma.local [hbm:s3], $0xF7A  }
0x26: {  	[smem:$0x3F98] =	sst s1;
	(tag) =	ssettag s2;
	_ =	strace s9  }
0x27: {  	s1 =	sld [smem:$0x3FA8]  }
0x28: {  	s2 =	sld [smem:$0x3FA9]  }
0x29: {  	s4 =	sld [smem:$0x3FAB]  }
0x2a: {  	p0 =	seq.s32 s5, $0x0;
	s5 =	sld [smem:$0x3FAC]  }
0x2b: {  	s6 =	sld [smem:$0x3FAD]  }
0x2c: {  	s7 =	sld [smem:$0x3FAE]  }
0x2d: {  	s3 =	simm.s32 $0x108;
	s8 =	sld [smem:$0x3FAF]  }
0x2e: {  	s3 =	simm.s32 @!p0 $0x1082;
	s9 =	sld [smem:$0x3FB0]  }
0x2f: {  	lr =	sadd.s32 s0, s3;
	s0 =	sld [smem:$0x3FA7]  }
0x30: {  	s3 =	sld [smem:$0x3FAA]  }
0x31: {  	[smem:$0x3FB3] =	sst s10  }
0x32: {  	s10 =	sld [smem:$0x3FB1];
	_ =	sdelay $0x3  }
0x33: {  	p0 =	seq.s32 s10, $0x1;
	s10 =	sld [smem:$0x3FB3];
	_ =	sdelay $0x3  }
0x34: {  	[smem:$0x3FB3] =	sst s10  }
0x35: {  	s10 =	sld [smem:$0x3FB2];
	_ =	sdelay $0x3  }
0x36: {  	p1 =	seq.s32 s10, $0x1;
	s10 =	sld [smem:$0x3FB3];
	_ =	sdelay $0x3  }
0x37: {  	[smem:$0x3FB3] =	sst s10  }
0x38: {  	s10 =	sld [smem:$0x3FB4]  }
0x39: {  	_ = 	snop;
	(pc) =	sbr.ind lr, $3  }
0x3a: {  	_ = 	snop  }
0x3b: {  	_ = 	snop  }
0x3c: {  	p2 =	seq.s32 s10, $0x1;
	s10 =	sld [smem:$0x3FB3]  }
0x3d: {  	_ =	shalt  }
0x3e: {  	_ =	shalt  }
0x3f: {  	_ =	shalt  }
0x40: {  	_ =	shalt  }
0x41: {  	_ =	shalt  }
0x42: {  	_ =	shalt  }
0x43: {  	_ =	shalt  }
0x44: {  	_ =	shalt  }
0x45: {  	_ =	shalt  }
0x46: {  	_ =	shalt  }
0x47: {  	_ =	shalt  }
0x48: {  	_ =	shalt  }
0x49: {  	_ =	shalt  }
0x4a: {  	_ =	shalt  }
0x4b: {  	_ =	shalt  }
0x4c: {  	_ =	shalt  }
0x4d: {  	_ =	shalt  }
0x4e: {  	_ =	shalt  }
0x4f: {  	_ =	shalt  }
0x50: {  	_ =	shalt  }
0x51: {  	_ =	shalt  }
0x52: {  	_ =	shalt  }
0x53: {  	_ =	shalt  }
0x54: {  	_ =	shalt  }
0x55: {  	_ =	shalt  }
0x56: {  	_ =	shalt  }
0x57: {  	_ =	shalt  }
0x58: {  	_ =	shalt  }
0x59: {  	_ =	shalt  }
0x5a: {  	_ =	shalt  }
0x5b: {  	_ =	shalt  }
0x5c: {  	_ =	shalt  }
0x5d: {  	_ =	shalt  }
0x5e: {  	_ =	shalt  }
0x5f: {  	_ =	shalt  }
0x60: {  	_ =	shalt  }
0x61: {  	_ =	shalt  }
0x62: {  	_ =	shalt  }
0x63: {  	_ =	shalt  }
0x64: {  	_ =	shalt  }
0x65: {  	_ =	shalt  }
0x66: {  	_ =	shalt  }
0x67: {  	_ =	shalt  }
0x68: {  	_ =	shalt  }
0x69: {  	_ =	shalt  }
0x6a: {  	_ =	shalt  }
0x6b: {  	_ =	shalt  }
0x6c: {  	_ =	shalt  }
0x6d: {  	_ =	shalt  }
0x6e: {  	_ =	shalt  }
0x6f: {  	_ =	shalt  }
0x70: {  	_ =	shalt  }
0x71: {  	_ =	shalt  }
0x72: {  	_ =	shalt  }
0x73: {  	_ =	shalt  }
0x74: {  	_ =	shalt  }
0x75: {  	_ =	shalt  }
0x76: {  	_ =	shalt  }
0x77: {  	_ =	shalt  }
0x78: {  	_ =	shalt  }
0x79: {  	_ =	shalt  }
0x7a: {  	_ =	shalt  }
0x7b: {  	_ =	shalt  }
0x7c: {  	_ =	shalt  }
0x7d: {  	_ =	shalt  }
0x7e: {  	_ =	shalt  }
0x7f: {  	_ =	shalt  }
0x80: {  	_ =	shalt  }
0x81: {  	_ =	shalt  }
0x82: {  	_ =	shalt  }
0x83: {  	_ =	shalt  }
0x84: {  	_ =	shalt  }
0x85: {  	_ =	shalt  }
0x86: {  	_ =	shalt  }
0x87: {  	_ =	shalt  }
.Lfunc_end0:
.L_simem_size_0:
called_computation_lowered:
.L_overlay_start_0:
0x88: {  	s2 =	sld [smem:$0x3FD9]  }
0x89: {  	s3 =	sld [smem:$0x3FFE];
	_ =	sdelay $0x1  }
0x8a: {  	s1 =	srdreg.scid  }
0x8b: {  	s0 =	sand.u32 $0x1, s1  }
0x8c: {  	s17 =	sshll.u32 s0, $0xA;
	s2 =	sadd.s32 s3, s2  }
0x8d: {  	s2 =	sadd.s32 s2, s17  }
0x8e: {  	[smem:$0x3FBF] =	sst s2  }
0x8f: {  	_ = 	snop  }
0x90: {  	s2 =	sld [smem:$0x3FC8]  }
0x91: {  	s18 =	sld [smem:$0x3FC7]  }
0x92: {  	s4 =	sld [smem:$0x3FC6];
	(tm) =	ssettm $0x1  }
0x93: {  	s5 =	sld [smem:$0x3FFB];
	_ =	sdelay $0x3  }
0x94: {  	_ =	strace s5  }
0x95: {  	s5 =	sld [smem:$0x3FFC];
	_ =	sdelay $0x3  }
0x96: {  	_ =	strace s5  }
0x97: {  	s5 =	sld [smem:$0x3FFD];
	_ =	sdelay $0x3  }
0x98: {  	_ =	strace s5  }
0x99: {  	_ =	strace $0x8FFFFFFF  }
0x9a: {  	s19 =	sld [smem:$0x3FDB];
	_ =	sdelay $0x1  }
0x9b: {  	s6 =	simm.s32 $_scs_section_size  }
0x9c: {  	s7 =	simm.s32 $_size__tile_overlayer_lowered;
	s8 =	simm.s32 $_tile_overlayer_lowered  }
0x9d: {  	s22 =	simm.s32 $0x1BFF;
	s21 =	sshll.u32 s8, $0x1;
	s5 =	sadd.s32 s6, s19  }
0x9e: {  	s9 =	simm.s32 $0x0;
	s20 =	sshll.u32 s7, $0x1;
	s7 =	sadd.s32 s21, s5  }
0x9f: {  	[timem:s9], [sflag:s22] =	dma.local [hbm:s7], s20  }
0xa0: {  	_ =	swait.ge [sflag:s22], s20  }
0xa1: {  	s6 =	ssub.s32 $0x0, s20;
	[sflag:s22] =	ssyncset.done $0x0  }
0xa2: {  	[sflag:s22] =	ssyncadd.s32 s6;
	_ =	sdelay $0x1  }
0xa3: {  	s23 =	simm.s32 $0x1B8B  }
0xa4: {  	_ =	swait.ge [sflag:s23], $0x1  }
0xa5: {  	[sflag:s23] =	ssyncset.done $0x0  }
0xa6: {  	s25 =	simm.s32 $0x1B8E;
	s24 =	sld [smem:$0x3FFE];
	[sflag:s23] =	ssyncadd.s32 $0xFFFFFFFF  }
0xa7: {  	s26 =	simm.s32 $execute0_lowered;
	[smem:$0x3FD2] =	sst s25  }
0xa8: {  	s7 =	sshll.u32 s26, $0x1;
	_ =	strace $0x80000046;
	[dreg:$0x1] =	wrdreg $0xFFFFFFFF  }
0xa9: {  	s28 =	simm.s32 $_size_execute0_lowered;
	s5 =	sadd.s32 s5, s7;
	[dreg:$0x0] =	wrdreg $0x0  }
0xaa: {  	s7 =	sshll.u32 s28, $0x1;
	[dreg:$0x2] =	wrdreg s5  }
0xab: {  	[dreg:$0x3] =	wrdreg s7  }
0xac: {  	[dreg:$0x4] =	wrdreg $0xC0  }
0xad: {  	_ =	task [dreg:s9], $0x5FFFF  }
0xae: {  	[dreg:$0x1] =	wrdreg $0xFFFFFFFF  }
0xaf: {  	[dreg:$0x0] =	wrdreg $0x60  }
0xb0: {  	[dreg:$0x2] =	wrdreg s2  }
0xb1: {  	[dreg:$0x3] =	wrdreg s18  }
0xb2: {  	[dreg:$0x4] =	wrdreg s4  }
0xb3: {  	[dreg:$0x5] =	wrdreg s24  }
0xb4: {  	[dreg:$0x6] =	wrdreg $0x84800  }
0xb5: {  	[dreg:$0x7] =	wrdreg $0x9  }
0xb6: {  	_ =	task.clear_ibuf [dreg:s9], $0x8FFFF;
	_ =	strace $0x90000046  }
0xb7: {  	s29 =	simm.s32 $0x9;
	_ =	strace $0x80000048  }
0xb8: {  	_ =	swait.ge [sflag:s29], $0x1  }
0xb9: {  	[sflag:s29] =	ssyncadd.s32 $0xFFFFFFFF  }
0xba: {  	_ =	strace $0x90000048  }
0xbb: {  	_ =	sfence  }
0xbc: {  	s30 =	sld [smem:$0x0];
	_ =	sdelay $0x2  }
0xbd: {  	s31 =	sshll.u32 s1, $0xD;
	s1 =	sshrl.u32 s1, $0x2  }
0xbe: {  	s3 =	sand.u32 $0x4000, s31;
	s1 =	sadd.s32 s1, s30  }
0xbf: {  	s0 =	sor.u32 s3, s0;
	s1 =	sshll.u32 s1, $0x11  }
0xc0: {  	s0 =	sor.u32 s1, s0  }
0xc1: {  	s0 =	sadd.s32 $0x8F2B, s0  }
0xc2: {  	[sflag:s0] =	ssyncadd.remote.s32 $0x1  }
0xc3: {  	_ =	sfence.sel $0xFFFF  }
0xc4: {  	[dreg:$0x0] =	wrdreg $0xFFFFFFFF;
	(pc) =	sbr.abs _section_cstart, $3  }
0xc5: {  	[dreg:$0x1] =	wrdreg $0xFFFFFFFF  }
0xc6: {  	_ =	task.clear_ibuf [dreg:s9], $0x2FFFF;
	_ =	strace $0x9FFFFFFF  }
0xc7: {  	(tm) =	ssettm $0x7FFFFFFF  }
tec
execute0_lowered:
.L_overlay_start_1:
0x0: {  	(tag) =	ssettag $0x1  }
0x1: {  	s0 =	rddreg [dreg:$0x0]  }
0x2: {  	s11 =	rddreg [dreg:$0x1]  }
0x3: {  	s1 =	rddreg [dreg:$0x2]  }
0x4: {  	s5 =	rddreg [dreg:$0x3]  }
0x5: {  	s3 =	rddreg [dreg:$0x4];
	s4 =	srdreg.scid  }
0x6: {  	s2 =	stileid.u32;
	s18 =	simm.s32 $0x80;
	s19 =	simm.s32 $0x100  }
0x7: {  	s20 =	simm.s32 $0x1400;
	s21 =	simm.s32 $0x3C00;
	s22 =	simm.s32 $0x6400  }
0x8: {  	s23 =	simm.s32 $0x3;
	s25 =	simm.s32 $0x1;
	s28 =	simm.s32 $0x4  }
0x9: {  	s29 =	simm.s32 $0x0;
	s26 =	sand.u32 $0x1, s4;
	s30 =	smul.u32 $0x4E0, s2  }
0xa: {  	s4 =	simm.s32 $0x0;
	s14 =	sshll.u32 s2, $0xF;
	s9 =	smul.u32 $0x270, s2  }
0xb: {  	p0 =	seq.s32 s2, $0xF;
	s10 =	smul.u32 $0x20200, s2;
	s6 =	sshll.u32 s26, $0x13  }
0xc: {  	[smem:$0x7FF] =	sst s4;
	s7 =	ssub.s32 $0x2, s26;
	s31 =	sadd.s32 s14, s3  }
0xd: {  	v0 =	vmov s26;
	s26 =	simm.s32 $0x2;
	s6 =	sor.u32 s14, s6;
	_ =	strace $0x80000047  }
0xe: {  	s8 =	sshrl.u32 s7, $0x1;
	s12 =	sshrl.u32 s10, $0x2;
	s10 =	sadd.s32 $0x4E00, s0  }
0xf: {  	s24 =	sshrl.u32 s31, $0x3;
	s6 =	sshrl.u32 s6, $0x3;
	s15 =	ssub.s32 s7, s8  }
0x10: {  	s8 =	sadd.s32 s11, s9;
	s9 =	sadd.s32 $0x4E10, s0;
	s11 =	sadd.s32 $0x2700, s11  }
0x11: {  	s12 =	sadd.s32 s12, s3;
	s13 =	sadd.s32 s6, s5;
	s5 =	simm.s32 $0x28  }
0x12: {  	s6 =	sadd.s32 s0, s30;
	s14 =	smax.u32 s15, $0x1;
	s15 =	sadd.s32 $0x2020, s12  }
0x13: {  	s16 =	sadd.s32 $0x4040, s12;
	s17 =	sadd.s32 $0x6060, s12;
	s5 =	simm.s32 @!p0 $0x27  }
0x14: {  	v1 =	vimm.f32 $0.0e+00;
	s7 =	sadd.s32 $0x10, s6;
	s13 =	sadd.s32 $0x1000, s13;
	p0 =	sne.s32 s2, $0xF  }
.LBB2_1:
0x15: {  	[tilespmem:s4], [sflag:$0x3] =	stream.strided.gather [hbm4b:s7+s18], $0x1380, s19, s18, $0x38;
	[tilespmem:$0x10500] =	vst v63  }
0x16: {  	_ = 	snop  }
0x17: {  	[tilespmem:s20], [sflag:$0x3] =	stream.strided.gather [hbm4b:s6+s18], $0x1380, s19, s18, $0x38;
	[tilespmem:$0x10500] =	vst v63  }
0x18: {  	_ = 	snop  }
0x19: {  	[tilespmem:s21], [sflag:$0x3] =	stream.linear.gather [hbm4b:s8+s4], $0x1380, $0x38;
	[tilespmem:$0x10500] =	vst v63  }
0x1a: {  	s0 =	simm.s32 @!p0 $0x0;
	s30 =	simm.s32 @!p0 $0x1380  }
0x1b: {  	[tilespmem:s30], [sflag:$0x3] =	stream.linear.gather @!p0 [hbm4b:s9+s0], $0x80, $0x38;
	[tilespmem:$0x10500] =	vst v63  }
0x1c: {  	s30 =	simm.s32 @!p0 $0x2780  }
0x1d: {  	[tilespmem:s30], [sflag:$0x3] =	stream.linear.gather @!p0 [hbm4b:s10+s0], $0x80, $0x38;
	[tilespmem:$0x10500] =	vst v63  }
0x1e: {  	s30 =	simm.s32 @!p0 $0x4F80  }
0x1f: {  	[tilespmem:s30], [sflag:$0x3] =	stream.linear.gather @!p0 [hbm4b:s11+s0], $0x80, $0x38;
	[tilespmem:$0x10500] =	vst v63  }
0x20: {  	s0 =	simm.s32 $0x40;
	s30 =	simm.s32 $0x0  }
.LBB2_2:
0x21: {  	p1 =	sne.s32 s0, $0x8040;
	[tilespmem:s30+$0x6400] =	vst v1;
	s30 =	smov.u32 s0;
	s0 =	sadd.s32 $0x40, s0  }
.Ltmp0:
0x22: {  	(pc) =	sbr.rel @p1 .LBB2_2-.Ltmp0, $2  }
0x23: {  	_ =	sdelay $0x2  }
0x24: {  	s30 =	sshra.s32 s30, $0x2  }
0x25: {  	[tilespmem:s30+$0x6400] =	vst v1  }
0x26: {  	[spmem:s12] =	stream.linear.scatter [tilespmem:s22], [sflag:$0x2], $0x2020, $0x38;
	[tilespmem:$0x10500] =	vst v63  }
0x27: {  	_ = 	snop  }
0x28: {  	[spmem:s15] =	stream.linear.scatter [tilespmem:s22], [sflag:$0x2], $0x2020, $0x38;
	[tilespmem:$0x10500] =	vst v63  }
0x29: {  	_ = 	snop  }
0x2a: {  	[spmem:s16] =	stream.linear.scatter [tilespmem:s22], [sflag:$0x2], $0x2020, $0x38;
	[tilespmem:$0x10500] =	vst v63  }
0x2b: {  	_ = 	snop  }
0x2c: {  	[spmem:s17] =	stream.linear.scatter [tilespmem:s22], [sflag:$0x2], $0x2020, $0x38;
	[tilespmem:$0x10500] =	vst v63  }
0x2d: {  	_ =	swait.ge [sflag:s23], $0x1380  }
0x2e: {  	[sflag:s23] =	ssyncset.done $0x0  }
0x2f: {  	[sflag:s23] =	ssyncadd.s32 $0xFFFFEC80  }
0x30: {  	_ =	swait.ge [sflag:s23], $0x1380  }
0x31: {  	[sflag:s23] =	ssyncset.done $0x0  }
0x32: {  	[sflag:s23] =	ssyncadd.s32 $0xFFFFEC80  }
0x33: {  	_ =	swait.ge [sflag:s23], $0x1380  }
0x34: {  	[sflag:s23] =	ssyncset.done $0x0  }
0x35: {  	s0 =	simm.s32 @!p0 $0x3;
	[sflag:s23] =	ssyncadd.s32 $0xFFFFEC80  }
0x36: {  	_ =	swait.ge @!p0 [sflag:s0], $0x80  }
0x37: {  	[sflag:s0] =	ssyncset.done @!p0 $0x0  }
0x38: {  	[sflag:s0] =	ssyncadd.s32 @!p0 $0xFFFFFF80  }
0x39: {  	_ =	swait.ge @!p0 [sflag:s0], $0x80  }
0x3a: {  	[sflag:s0] =	ssyncset.done @!p0 $0x0  }
0x3b: {  	[sflag:s0] =	ssyncadd.s32 @!p0 $0xFFFFFF80  }
0x3c: {  	_ =	swait.ge @!p0 [sflag:s0], $0x80  }
0x3d: {  	s30 =	simm.s32 $0x5000;
	[sflag:s0] =	ssyncset.done @!p0 $0x0  }
0x3e: {  	s31 =	smov.u32 s5;
	[sflag:s0] =	ssyncadd.s32 @!p0 $0xFFFFFF80;
	s0 =	simm.s32 $0x3C00  }
.LBB2_4:
0x3f: {  	p1 =	sne.s32 s31, $0x1  }
.Ltmp1:
0x40: {  	_ = 	snop;
	(pc) =	sbr.rel @p1 .LBB2_4-.Ltmp1, $3  }
0x41: {  	_ =	sdelay $0x1  }
0x42: {  	[tilespmem:s30], [sflag:$0x1] =	stream.indirect.gather [hbm4b:s1+s18], $0x1, s0, s18, $0xb8;
	[tilespmem:$0x10500] =	vst v63  }
0x43: {  	s0 =	sadd.s32 $0x80, s0;
	s30 =	sadd.s32 $0x80, s30;
	s31 =	sadd.s32 $0xFFFFFFFF, s31  }
0x44: {  	s30 =	simm.s32 $0x0  }
0x45: {  	v7 =	vld [tilespmem:s30+$0x1470]  }
0x46: {  	v4 =	vld [tilespmem:s30+$0x70]  }
0x47: {  	v5 =	vld [tilespmem:s30+$0x1400]  }
0x48: {  	v9 =	vld [tilespmem:s30+$0x1420]  }
0x49: {  	v2 =	vld [tilespmem:s30+$0x1430]  }
0x4a: {  	v3 =	vld [tilespmem:s30+$0x1440]  }
0x4b: {  	v14 =	vld [tilespmem:s30+$0x0]  }
0x4c: {  	v22 =	vld [tilespmem:s30+$0x50];
	_ =	sdelay $0x1  }
0x4d: {  	v6 =	vshll.u32 v7, $0xA;
	v11 =	vshll.u32 v4, $0x7;
	v12 =	vshll.u32 v5, $0xA  }
0x4e: {  	v8 =	vld [tilespmem:s30+$0x1410];
	v15 =	vshll.u32 v9, $0xA;
	v16 =	vshll.u32 v2, $0xA;
	v7 =	vand.u32 $0x7F, v7  }
0x4f: {  	v18 =	vshll.u32 v3, $0xA;
	v14 =	vshll.u32 v14, $0x7;
	v10 =	vand.u32 $0xFFFE0000, v6  }
0x50: {  	v4 =	vld [tilespmem:s30+$0x1450];
	v61 =	vshll.u32 v22, $0x7;
	v6 =	vand.u32 $0x7F, v5;
	v10 =	vadd.s32 v11, v10  }
0x51: {  	v5 =	vld [tilespmem:s30+$0x1460];
	v15 =	vand.u32 $0xFFFE0000, v15;
	v16 =	vand.u32 $0xFFFE0000, v16;
	v13 =	vshrl.u32 v10, $0x13  }
0x52: {  	v18 =	vand.u32 $0xFFFE0000, v18;
	v10 =	vand.u32 $0x7FF80, v10;
	vm0 =	veq.s32 v13, v0;
	v13 =	vld [tilespmem:s30+$0x10]  }
0x53: {  	v17 =	vld [tilespmem:s30+$0x20];
	v11 =	vand.u32 $0xFFFE0000, v12;
	v12 =	vshll.u32 v8, $0xA;
	v10 =	vnsel vm0, $0x80000, v10  }
0x54: {  	v12 =	vand.u32 $0xFFFE0000, v12;
	v11 =	vadd.s32 v14, v11;
	v7 =	vor.u32 v7, v10;
	v10 =	vld [tilespmem:s30+$0x30]  }
0x55: {  	v20 =	vld [tilespmem:s30+$0x40];
	v14 =	vshrl.u32 v11, $0x13;
	v11 =	vand.u32 $0x7FF80, v11;
	v19 =	vshll.u32 v4, $0xA  }
0x56: {  	vm6 =	veq.s32 v14, v0;
	[tilespmem:s30+$0x2870] =	vst v7;
	v7 =	vand.u32 $0x7F, v8;
	v8 =	vand.u32 $0x7F, v9;
	v9 =	vld [tilespmem:s30+$0x60]  }
0x57: {  	v19 =	vand.u32 $0xFFFE0000, v19;
	v21 =	vshll.u32 v5, $0xA;
	v13 =	vshll.u32 v13, $0x7  }
0x58: {  	v21 =	vand.u32 $0xFFFE0000, v21;
	v12 =	vadd.s32 v13, v12;
	v13 =	vshll.u32 v17, $0x7  }
0x59: {  	v17 =	vshrl.u32 v12, $0x13;
	v15 =	vadd.s32 v13, v15;
	v10 =	vshll.u32 v10, $0x7  }
0x5a: {  	v13 =	vshrl.u32 v15, $0x13;
	v10 =	vadd.s32 v10, v16;
	v16 =	vshll.u32 v20, $0x7  }
0x5b: {  	v9 =	vshll.u32 v9, $0x7;
	vm5 =	veq.s32 v17, v0;
	v60 =	vshrl.u32 v10, $0x13  }
0x5c: {  	v16 =	vadd.s32 v16, v18;
	v18 =	vadd.s32 v61, v19;
	v63 =	vadd.s32 v9, v21  }
0x5d: {  	vm3 =	veq.s32 v13, v0;
	v13 =	vand.u32 $0x7FF80, v12;
	v12 =	vand.u32 $0x7FF80, v10  }
0x5e: {  	v62 =	vshrl.u32 v16, $0x13;
	v14 =	vshrl.u32 v18, $0x13;
	v9 =	vshrl.u32 v63, $0x13  }
0x5f: {  	vm4 =	veq.s32 v60, v0;
	v10 =	vand.u32 $0x7FF80, v18;
	vm1 =	veq.s32 v62, v0  }
0x60: {  	vm0 =	veq.s32 v14, v0;
	vm2 =	veq.s32 v9, v0;
	v14 =	vand.u32 $0x7FF80, v15  }
0x61: {  	s31 =	simm.s32 $0x80;
	s0 =	simm.s32 $0x400;
	v9 =	vand.u32 $0x7FF80, v16;
	v15 =	vnsel vm6, $0x80000, v11;
	v11 =	vand.u32 $0x7FF80, v63  }
.LBB2_6:
0x62: {  	p1 =	sne.s32 s0, $0x4E00;
	v16 =	vld [tilespmem:s31+$0x1470];
	v13 =	vnsel vm5, $0x80000, v13;
	v14 =	vnsel vm3, $0x80000, v14;
	v12 =	vnsel vm4, $0x80000, v12  }
0x63: {  	v9 =	vnsel vm1, $0x80000, v9;
	v10 =	vnsel vm0, $0x80000, v10;
	v11 =	vnsel vm2, $0x80000, v11;
	v17 =	vld [tilespmem:s31+$0x70]  }
0x64: {  	v2 =	vand.u32 $0x7F, v2;
	v3 =	vand.u32 $0x7F, v3;
	v4 =	vand.u32 $0x7F, v4;
	v18 =	vld [tilespmem:s31+$0x1400]  }
0x65: {  	v6 =	vor.u32 v6, v15;
	v5 =	vand.u32 $0x7F, v5;
	v7 =	vor.u32 v7, v13;
	v19 =	vld [tilespmem:s31+$0x1410]  }
0x66: {  	v9 =	vor.u32 v3, v9;
	v13 =	vld [tilespmem:s31+$0x1420];
	[tilespmem:s30+$0x2800] =	vst v6;
	v6 =	vor.u32 v8, v14;
	v8 =	vor.u32 v2, v12  }
0x67: {  	v2 =	vld [tilespmem:s31+$0x1430];
	v12 =	vshll.u32 v16, $0xA;
	[tilespmem:s30+$0x2810] =	vst v7;
	v7 =	vor.u32 v4, v10;
	v10 =	vor.u32 v5, v11  }
0x68: {  	v3 =	vld [tilespmem:s31+$0x1440];
	v5 =	vand.u32 $0xFFFE0000, v12;
	v11 =	vshll.u32 v17, $0x7;
	[tilespmem:s30+$0x2820] =	vst v6  }
0x69: {  	v12 =	vshll.u32 v18, $0xA;
	v6 =	vand.u32 $0x7F, v18;
	v4 =	vld [tilespmem:s31+$0x1450];
	v11 =	vadd.s32 v11, v5;
	[tilespmem:s30+$0x2830] =	vst v8  }
0x6a: {  	v8 =	vand.u32 $0xFFFE0000, v12;
	v12 =	vshll.u32 v19, $0xA;
	v5 =	vld [tilespmem:s31+$0x1460];
	v14 =	vshrl.u32 v11, $0x13;
	[tilespmem:s30+$0x2840] =	vst v9  }
0x6b: {  	v11 =	vand.u32 $0x7FF80, v11;
	v9 =	vld [tilespmem:s31+$0x0];
	v15 =	vshll.u32 v13, $0xA;
	vm0 =	veq.s32 v14, v0;
	[tilespmem:s30+$0x2850] =	vst v7  }
0x6c: {  	v16 =	vand.u32 $0x7F, v16;
	v14 =	vld [tilespmem:s31+$0x10];
	v7 =	vshll.u32 v2, $0xA;
	v11 =	vnsel vm0, $0x80000, v11;
	[tilespmem:s30+$0x2860] =	vst v10;
	s30 =	smov.u32 s31  }
0x6d: {  	v10 =	vand.u32 $0xFFFE0000, v12;
	v12 =	vld [tilespmem:s30+$0x20];
	v17 =	vshll.u32 v3, $0xA;
	v11 =	vor.u32 v16, v11  }
0x6e: {  	v15 =	vand.u32 $0xFFFE0000, v15;
	v18 =	vand.u32 $0xFFFE0000, v7;
	v16 =	vld [tilespmem:s30+$0x30];
	v7 =	vshll.u32 v4, $0xA;
	[tilespmem:s30+$0x2870] =	vst v11  }
0x6f: {  	v17 =	vand.u32 $0xFFFE0000, v17;
	v11 =	vld [tilespmem:s30+$0x40];
	v20 =	vand.u32 $0xFFFE0000, v7;
	v21 =	vshll.u32 v5, $0xA  }
0x70: {  	v7 =	vand.u32 $0x7F, v19;
	v9 =	vshll.u32 v9, $0x7;
	v19 =	vld [tilespmem:s30+$0x50];
	v21 =	vand.u32 $0xFFFE0000, v21  }
0x71: {  	v9 =	vadd.s32 v9, v8;
	v14 =	vshll.u32 v14, $0x7;
	v8 =	vand.u32 $0x7F, v13;
	v13 =	vld [tilespmem:s30+$0x60]  }
0x72: {  	v22 =	vshrl.u32 v9, $0x13;
	v10 =	vadd.s32 v14, v10;
	v12 =	vshll.u32 v12, $0x7  }
0x73: {  	v14 =	vshrl.u32 v10, $0x13;
	v12 =	vadd.s32 v12, v15;
	v15 =	vshll.u32 v16, $0x7  }
0x74: {  	v16 =	vshrl.u32 v12, $0x13;
	v15 =	vadd.s32 v15, v18;
	v11 =	vshll.u32 v11, $0x7  }
0x75: {  	v18 =	vshrl.u32 v15, $0x13;
	v11 =	vadd.s32 v11, v17;
	v17 =	vshll.u32 v19, $0x7  }
0x76: {  	v19 =	vshrl.u32 v11, $0x13;
	v17 =	vadd.s32 v17, v20;
	v13 =	vshll.u32 v13, $0x7  }
0x77: {  	vm6 =	veq.s32 v22, v0;
	v20 =	vshrl.u32 v17, $0x13;
	v21 =	vadd.s32 v13, v21  }
.Ltmp2:
0x78: {  	vm5 =	veq.s32 v14, v0;
	vm3 =	veq.s32 v16, v0;
	v14 =	vshrl.u32 v21, $0x13;
	(pc) =	sbr.rel @p1 .LBB2_6-.Ltmp2, $4  }
0x79: {  	vm4 =	veq.s32 v18, v0;
	vm1 =	veq.s32 v19, v0;
	vm0 =	veq.s32 v20, v0  }
0x7a: {  	v16 =	vand.u32 $0x7FF80, v9;
	v13 =	vand.u32 $0x7FF80, v10;
	vm2 =	veq.s32 v14, v0  }
0x7b: {  	v9 =	vand.u32 $0x7FF80, v11;
	v14 =	vand.u32 $0x7FF80, v12;
	v12 =	vand.u32 $0x7FF80, v15  }
0x7c: {  	s31 =	sshra.s32 s0, $0x2;
	s0 =	sadd.s32 $0x200, s0;
	v10 =	vand.u32 $0x7FF80, v17;
	v11 =	vand.u32 $0x7FF80, v21;
	v15 =	vnsel vm6, $0x80000, v16  }
0x7d: {  	v16 =	vld [tilespmem:s31+$0x1470]  }
0x7e: {  	v17 =	vld [tilespmem:s31+$0x70]  }
0x7f: {  	v18 =	vld [tilespmem:s31+$0x1400]  }
0x80: {  	v19 =	vld [tilespmem:s31+$0x1410];
	v6 =	vor.u32 v6, v15;
	v13 =	vnsel vm5, $0x80000, v13;
	v27 =	vnsel vm3, $0x80000, v14  }
0x81: {  	v24 =	vld [tilespmem:s31+$0x1420];
	v12 =	vnsel vm4, $0x80000, v12;
	v2 =	vand.u32 $0x7F, v2;
	[tilespmem:s30+$0x2800] =	vst v6;
	v25 =	vor.u32 v7, v13  }
0x82: {  	v9 =	vnsel vm1, $0x80000, v9;
	v3 =	vand.u32 $0x7F, v3;
	v28 =	vor.u32 v8, v27;
	v26 =	vld [tilespmem:s31+$0x1430];
	[tilespmem:s30+$0x2810] =	vst v25  }
0x83: {  	v30 =	vnsel vm2, $0x80000, v11;
	v4 =	vand.u32 $0x7F, v4;
	v2 =	vor.u32 v2, v12;
	v29 =	vld [tilespmem:s31+$0x1440];
	[tilespmem:s30+$0x2820] =	vst v28  }
0x84: {  	v5 =	vand.u32 $0x7F, v5;
	v3 =	vor.u32 v3, v9;
	v6 =	vld [tilespmem:s31+$0x1450];
	[tilespmem:s30+$0x2830] =	vst v2;
	v2 =	vnsel vm0, $0x80000, v10  }
0x85: {  	v5 =	vor.u32 v5, v30;
	v32 =	vshll.u32 v16, $0xA;
	v2 =	vor.u32 v4, v2  }
0x86: {  	v31 =	vld [tilespmem:s31+$0x1460];
	[tilespmem:s30+$0x2840] =	vst v3;
	v33 =	vshll.u32 v17, $0x7;
	v35 =	vand.u32 $0x7F, v18;
	v38 =	vshll.u32 v19, $0xA  }
0x87: {  	v39 =	vand.u32 $0x7F, v16;
	v41 =	vshll.u32 v24, $0xA;
	v19 =	vand.u32 $0x7F, v19;
	v34 =	vld [tilespmem:s31+$0x0];
	[tilespmem:s30+$0x2850] =	vst v2  }
0x88: {  	v47 =	vand.u32 $0x7F, v24;
	v3 =	vand.u32 $0xFFFE0000, v32;
	v2 =	vshll.u32 v18, $0xA;
	v37 =	vld [tilespmem:s31+$0x10];
	[tilespmem:s30+$0x2860] =	vst v5  }
0x89: {  	v14 =	vand.u32 $0xFFFE0000, v41;
	v3 =	vadd.s32 v33, v3;
	v2 =	vand.u32 $0xFFFE0000, v2;
	v40 =	vld [tilespmem:s31+$0x20]  }
0x8a: {  	v42 =	vshll.u32 v26, $0xA;
	v5 =	vand.u32 $0xFFFE0000, v38;
	v36 =	vshrl.u32 v3, $0x13;
	v43 =	vld [tilespmem:s31+$0x30]  }
0x8b: {  	v3 =	vand.u32 $0x7FF80, v3;
	v44 =	vshll.u32 v29, $0xA;
	v46 =	vld [tilespmem:s31+$0x40];
	v8 =	vand.u32 $0x7F, v29  }
0x8c: {  	v21 =	vld [tilespmem:s31+$0x50];
	vm9 =	veq.s32 v36, v0;
	v45 =	vshll.u32 v6, $0xA;
	v17 =	vand.u32 $0xFFFE0000, v44  }
0x8d: {  	v48 =	vld [tilespmem:s31+$0x60];
	v6 =	vand.u32 $0x7F, v6;
	v3 =	vnsel vm9, $0x80000, v3;
	v16 =	vand.u32 $0xFFFE0000, v45  }
0x8e: {  	v20 =	vshll.u32 v31, $0xA;
	v3 =	vor.u32 v39, v3;
	v11 =	vshll.u32 v34, $0x7  }
0x8f: {  	v20 =	vand.u32 $0xFFFE0000, v20;
	v12 =	vshll.u32 v37, $0x7;
	v2 =	vadd.s32 v11, v2  }
0x90: {  	[tilespmem:s31+$0x2870] =	vst v3;
	v3 =	vand.u32 $0xFFFE0000, v42;
	v5 =	vadd.s32 v12, v5;
	v49 =	vshrl.u32 v2, $0x13  }
0x91: {  	v13 =	vshll.u32 v40, $0x7;
	v10 =	vshll.u32 v43, $0x7;
	v50 =	vshll.u32 v46, $0x7  }
0x92: {  	v54 =	vshll.u32 v21, $0x7;
	v15 =	vshll.u32 v48, $0x7;
	v2 =	vand.u32 $0x7FF80, v2  }
0x93: {  	v22 =	vshrl.u32 v5, $0x13;
	v13 =	vadd.s32 v13, v14;
	v3 =	vadd.s32 v10, v3  }
0x94: {  	v52 =	vadd.s32 v50, v17;
	v16 =	vadd.s32 v54, v16;
	vm10 =	veq.s32 v49, v0  }
0x95: {  	v15 =	vadd.s32 v15, v20;
	v5 =	vand.u32 $0x7FF80, v5;
	v51 =	vshrl.u32 v13, $0x13  }
0x96: {  	v53 =	vshrl.u32 v3, $0x13;
	v55 =	vshrl.u32 v52, $0x13;
	v56 =	vshrl.u32 v16, $0x13  }
0x97: {  	vm11 =	veq.s32 v22, v0;
	v57 =	vshrl.u32 v15, $0x13;
	v58 =	vand.u32 $0x7FF80, v13  }
0x98: {  	v3 =	vand.u32 $0x7FF80, v3;
	v10 =	vand.u32 $0x7FF80, v52;
	v2 =	vnsel vm10, $0x80000, v2  }
0x99: {  	v59 =	vand.u32 $0x7FF80, v16;
	v60 =	vand.u32 $0x7FF80, v15;
	vm12 =	veq.s32 v51, v0  }
0x9a: {  	vm13 =	veq.s32 v53, v0;
	v5 =	vnsel vm11, $0x80000, v5;
	v2 =	vor.u32 v35, v2  }
0x9b: {  	vm14 =	veq.s32 v55, v0;
	v12 =	vnsel vm12, $0x80000, v58;
	v5 =	vor.u32 v19, v5;
	[tilespmem:s31+$0x2800] =	vst v2  }
0x9c: {  	v2 =	vnsel vm13, $0x80000, v3;
	v3 =	vand.u32 $0x7F, v26;
	v61 =	vor.u32 v47, v12;
	[tilespmem:s31+$0x2810] =	vst v5  }
0x9d: {  	vm15 =	veq.s32 v56, v0;
	v62 =	vnsel vm14, $0x80000, v10;
	v2 =	vor.u32 v3, v2;
	[tilespmem:s31+$0x2820] =	vst v61  }
0x9e: {  	vm6 =	veq.s32 v57, v0;
	v3 =	vnsel vm15, $0x80000, v59;
	v5 =	vor.u32 v8, v62;
	[tilespmem:s31+$0x2830] =	vst v2  }
0x9f: {  	v63 =	vand.u32 $0x7F, v31;
	v2 =	vnsel vm6, $0x80000, v60;
	v3 =	vor.u32 v6, v3;
	[tilespmem:s31+$0x2840] =	vst v5  }
0xa0: {  	v2 =	vor.u32 v63, v2;
	[tilespmem:s31+$0x2850] =	vst v3  }
0xa1: {  	s0 =	smov.u32 s5;
	[tilespmem:s31+$0x2860] =	vst v2  }
.LBB2_8:
0xa2: {  	p1 =	sne.s32 s0, $0x1  }
.Ltmp3:
0xa3: {  	_ = 	snop;
	(pc) =	sbr.rel @p1 .LBB2_8-.Ltmp3, $4  }
0xa4: {  	_ = 	snop  }
0xa5: {  	_ =	swait.ge [sflag:s25], $0x80  }
0xa6: {  	[sflag:s25] =	ssyncset.done $0x0  }
0xa7: {  	s0 =	sadd.s32 $0xFFFFFFFF, s0;
	[sflag:s25] =	ssyncadd.s32 $0xFFFFFF80  }
0xa8: {  	s0 =	simm.s32 $0x0  }
0xa9: {  	v5 =	vld [tilespmem:s0+$0x5000]  }
0xaa: {  	v7 =	vld [tilespmem:s0+$0x5010]  }
0xab: {  	v6 =	vld [tilespmem:s0+$0x5020]  }
0xac: {  	v4 =	vld [tilespmem:s0+$0x5030]  }
0xad: {  	v2 =	vld [tilespmem:s0+$0x5040]  }
0xae: {  	v3 =	vld [tilespmem:s0+$0x5050];
	v8 =	vadd.f32 $5.120000000e+02, v5  }
0xaf: {  	s30 =	simm.s32 $0x200;
	v7 =	vadd.f32 $5.120000000e+02, v7;
	v5 =	vld [tilespmem:s0+$0x5060]  }
.LBB2_10:
0xb0: {  	s31 =	sshra.s32 s30, $0x2;
	p1 =	sne.s32 s30, $0x4E00;
	[tilespmem:s0+$0x5000] =	vst v8;
	v6 =	vadd.f32 $5.120000000e+02, v6;
	v8 =	vld [tilespmem:s0+$0x5070]  }
0xb1: {  	v9 =	vld [tilespmem:s31+$0x5000];
	[tilespmem:s0+$0x5010] =	vst v7;
	v4 =	vadd.f32 $5.120000000e+02, v4  }
0xb2: {  	v7 =	vld [tilespmem:s31+$0x5010];
	[tilespmem:s0+$0x5020] =	vst v6;
	v2 =	vadd.f32 $5.120000000e+02, v2  }
.Ltmp4:
0xb3: {  	v6 =	vld [tilespmem:s31+$0x5020];
	[tilespmem:s0+$0x5030] =	vst v4;
	v3 =	vadd.f32 $5.120000000e+02, v3;
	(pc) =	sbr.rel @p1 .LBB2_10-.Ltmp4, $4  }
0xb4: {  	v4 =	vld [tilespmem:s31+$0x5030];
	[tilespmem:s0+$0x5040] =	vst v2;
	v5 =	vadd.f32 $5.120000000e+02, v5  }
0xb5: {  	v2 =	vld [tilespmem:s31+$0x5040];
	[tilespmem:s0+$0x5050] =	vst v3;
	v10 =	vadd.f32 $5.120000000e+02, v8  }
0xb6: {  	v8 =	vadd.f32 $5.120000000e+02, v9;
	v3 =	vld [tilespmem:s31+$0x5050];
	[tilespmem:s0+$0x5060] =	vst v5  }
0xb7: {  	s30 =	sadd.s32 $0x200, s30;
	v7 =	vadd.f32 $5.120000000e+02, v7;
	v5 =	vld [tilespmem:s31+$0x5060];
	[tilespmem:s0+$0x5070] =	vst v10;
	s0 =	smov.u32 s31  }
0xb8: {  	[tilespmem:s0+$0x5000] =	vst v8;
	v6 =	vadd.f32 $5.120000000e+02, v6;
	v63 =	vld [tilespmem:s0+$0x5070]  }
0xb9: {  	[tilespmem:s0+$0x5010] =	vst v7;
	v4 =	vadd.f32 $5.120000000e+02, v4  }
0xba: {  	[tilespmem:s0+$0x5020] =	vst v6;
	v2 =	vadd.f32 $5.120000000e+02, v2  }
0xbb: {  	[tilespmem:s0+$0x5030] =	vst v4;
	v3 =	vadd.f32 $5.120000000e+02, v3  }
0xbc: {  	[tilespmem:s0+$0x5040] =	vst v2;
	v2 =	vadd.f32 $5.120000000e+02, v5  }
0xbd: {  	[tilespmem:s0+$0x5050] =	vst v3;
	v3 =	vadd.f32 $5.120000000e+02, v63  }
0xbe: {  	[tilespmem:s0+$0x5060] =	vst v2  }
0xbf: {  	[tilespmem:s0+$0x5070] =	vst v3  }
0xc0: {  	_ =	swait.ge [sflag:s26], $0x2020  }
0xc1: {  	[sflag:s26] =	ssyncset.done $0x0  }
0xc2: {  	[sflag:s26] =	ssyncadd.s32 $0xFFFFDFE0  }
0xc3: {  	_ =	swait.ge [sflag:s26], $0x2020  }
0xc4: {  	[sflag:s26] =	ssyncset.done $0x0  }
0xc5: {  	[sflag:s26] =	ssyncadd.s32 $0xFFFFDFE0  }
0xc6: {  	_ =	swait.ge [sflag:s26], $0x2020  }
0xc7: {  	[sflag:s26] =	ssyncset.done $0x0  }
0xc8: {  	p1 =	sne.s32 s5, $0x1;
	[sflag:s26] =	ssyncadd.s32 $0xFFFFDFE0  }
.Ltmp5:
0xc9: {  	_ =	swait.ge [sflag:s26], $0x2020;
	(pc) =	sbr.rel @!p1 .LBB2_13-.Ltmp5, $4  }
0xca: {  	[sflag:s26] =	ssyncset.done $0x0  }
0xcb: {  	s30 =	simm.s32 $0x2800;
	[sflag:s26] =	ssyncadd.s32 $0xFFFFDFE0  }
0xcc: {  	s31 =	sadd.s32 $0xFFFFFFFF, s5;
	s0 =	simm.s32 $0x5000;
	[bflag:$0x0] =	sbarrier.arrive $0xFFFF  }
0xcd: {  	[spmem:s3] =	stream.indirect.scatter.add.f32 [tilespmem:s0], [sflag:$0x2], $0x1, s30, s18, $0xb8;
	[tilespmem:$0x10500] =	vst v63  }
.LBB2_12:
0xce: {  	p2 =	sne.s32 s31, $0x1  }
.Ltmp6:
0xcf: {  	_ = 	snop;
	(pc) =	sbr.rel @p2 .LBB2_12-.Ltmp6, $4  }
0xd0: {  	_ = 	snop  }
0xd1: {  	s0 =	sadd.s32 $0x80, s0;
	s30 =	sadd.s32 $0x80, s30  }
0xd2: {  	s31 =	sadd.s32 $0xFFFFFFFF, s31  }
0xd3: {  	[spmem:s3] =	stream.indirect.scatter.add.f32 [tilespmem:s0], [sflag:$0x2], $0x1, s30, s18, $0xb8;
	[tilespmem:$0x10500] =	vst v63  }
.LBB2_13:
.Ltmp7:
0xd4: {  	(pc) =	sbr.rel @!p1 .LBB2_15-.Ltmp7, $3  }
0xd5: {  	_ =	sdelay $0x1  }
0xd6: {  	_ =	swait.ge [sflag:s26], $0x80  }
0xd7: {  	s0 =	sadd.s32 $0xFFFFFFFF, s5;
	[sflag:s26] =	ssyncset.done $0x0  }
.LBB2_14:
0xd8: {  	p1 =	sne.s32 s0, $0x1;
	s0 =	sadd.s32 $0xFFFFFFFF, s0;
	[sflag:s26] =	ssyncadd.s32 $0xFFFFFF80  }
.Ltmp8:
0xd9: {  	(pc) =	sbr.rel @p1 .LBB2_14-.Ltmp8, $3  }
0xda: {  	_ =	sdelay $0x1  }
0xdb: {  	_ =	swait.ge [sflag:s26], $0x80  }
0xdc: {  	[sflag:s26] =	ssyncset.done $0x0  }
.LBB2_15:
0xdd: {  	s29 =	sadd.s32 $0x1, s29  }
0xde: {  	[sflag:s26] =	ssyncadd.s32 $0xFFFFFF80;
	s0 =	sshll.u32 s2, $0x6;
	p1 =	sne.s32 s29, s14  }
.Ltmp9:
0xdf: {  	[bflag:$0x0] =	sbarrier.arrive $0xFFFF;
	s0 =	sor.u32 $0x1C04, s0;
	(pc) =	sbr.rel @p1 .LBB2_1-.Ltmp9, $4  }
0xe0: {  	[hbm:s13], [sflag:s0] =	dma.local [spmem:s24], $0x1000  }
0xe1: {  	_ =	swait.ge [sflag:s28], $0x1000  }
0xe2: {  	[sflag:s28] =	ssyncset.done $0x0  }
0xe3: {  	[sflag:s28] =	ssyncadd.s32 $0xFFFFF000  }
0xe4: {  	_ =	sfence.sel $0x180000  }
0xe5: {  	[bflag:$0x0] =	sbarrier.arrive $0xFFFF  }
0xe6: {  	_ =	strace $0x90000047  }
0xe7: {  	[bflag:$0x2] =	sbarrier.arrive $0xFFFF  }
0xe8: {  	p0 =	sne.s32 s2, $0x0;
	s0 =	rddreg [dreg:$0x5]  }
0xe9: {  	s0 =	sadd.s32 @!p0 $0x100000, s0  }
0xea: {  	[sflag:s0] =	ssyncadd.tile.s32 @!p0 $0x1;
	_ =	shalt  }
.Lfunc_end2:
_tile_overlayer_lowered:
.L_overlay_start_2:
0xeb: {  	(tag) =	ssettag $0x2  }
0xec: {  	s0 =	rddreg [dreg:$0x0];
	s2 =	stileid.u32  }
0xed: {  	s1 =	rddreg [dreg:$0x1];
	p0 =	sne.s32 s2, $0x0  }
0xee: {  	s3 =	rddreg [dreg:$0x2];
	[bflag:$0x3] =	sbarrier.arrive $0xFFFF;
	s2 =	simm.s32 @!p0 $0x1C04  }
0xef: {  	[timem:s3], [sflag:s2] =	dma.local @!p0 [hbm:s0], s1  }
0xf0: {  	s0 =	simm.s32 @!p0 $0x4  }
0xf1: {  	_ =	swait.ge @!p0 [sflag:s0], s1  }
0xf2: {  	s1 =	ssub.s32 @!p0 $0x0, s1;
	[sflag:s0] =	ssyncset.done @!p0 $0x0  }
0xf3: {  	[sflag:s0] =	ssyncadd.s32 @!p0 s1  }
0xf4: {  	[bflag:$0x3] =	sbarrier.arrive $0xFFFF  }
0xf5: {  	_ =	shalt  }

</sc_bundles>
